<compile_context>
chip_gen: v7x
topology: tpu7x:2x2x1
jax: 0.10.2.dev20260603
libtpu: 0.0.44.dev20260713+nightly
codegen_flags: <defaults>
</compile_context>

<pallas_src>
import functools

import jax
import jax.numpy as jnp
from jax import lax
from jax.experimental import pallas as pl
from jax.experimental.pallas import tpu as pltpu
from jax.experimental.pallas import tpu_sc as plsc

N_NODES = 10000
N_EDGES = 320000
D_IN = 128
D_HID = 256
D_OUT = 128

NC = 2
NS = 16
NW = NC * NS
CHUNK = 128
NSTEPS = 80
E_PAD = NW * NSTEPS * CHUNK
NBUF = 2
NIDX = 4
E_ALLOC = E_PAD + NIDX * CHUNK
N_PAD = 10240
ROWS_PER_TILE = N_PAD // NS
ZROWS = CHUNK


def _seg_sum_body(with_deg, x_hbm, src_hbm, dst_hbm, *refs):
    if with_deg:
        (acc_out, deg_out, s_0, s_1, s_2, s_3, t_0, t_1, t_2, t_3, r_a, r_b,
         ones_v, zdeg_v, acc_sh, deg_sh, sem_ga, sem_gb,
         sem_i0, sem_i1, sem_i2, sem_i3) = refs
    else:
        (acc_out, s_0, s_1, s_2, s_3, t_0, t_1, t_2, t_3, r_a, r_b,
         acc_sh, sem_ga, sem_gb, sem_i0, sem_i1, sem_i2, sem_i3) = refs
        deg_out = deg_sh = ones_v = zdeg_v = None
    sp = [s_0, s_1, s_2, s_3]
    tp = [t_0, t_1, t_2, t_3]
    sem_i = [sem_i0, sem_i1, sem_i2, sem_i3]
    sem_r = {id(r_a): sem_ga, id(r_b): sem_gb}

    c = lax.axis_index("c")
    s = lax.axis_index("s")
    wid = s * NC + c

    def zb(i, _):
        r = i // 8
        col = (i % 8) * 16
        r_a[r, pl.ds(col, 16)] = jnp.zeros((16,), jnp.float32)
        return 0
    lax.fori_loop(0, ZROWS * 8, zb, 0)
    if with_deg:
        def ob(i, _):
            ones_v[pl.ds(i * 16, 16)] = jnp.ones((16,), jnp.float32)
            return 0
        lax.fori_loop(0, CHUNK // 16, ob, 0)

        def zd(i, _):
            zdeg_v[pl.ds(i * 16, 16)] = jnp.zeros((16,), jnp.float32)
            return 0
        lax.fori_loop(0, ROWS_PER_TILE // 16, zd, 0)

    r0 = s * ROWS_PER_TILE
    for k in range(ROWS_PER_TILE // ZROWS):
        pltpu.sync_copy(r_a, acc_sh.at[pl.ds(r0 + k * ZROWS, ZROWS)])
    if with_deg:
        pltpu.sync_copy(zdeg_v, deg_sh.at[pl.ds(r0, ROWS_PER_TILE)])

    plsc.subcore_barrier()

    def idx_start(i, p):
        j = pl.multiple_of((wid * NSTEPS + i) * CHUNK, CHUNK)
        pltpu.async_copy(src_hbm.at[pl.ds(j, CHUNK)], sp[p], sem_i[p])
        pltpu.async_copy(dst_hbm.at[pl.ds(j, CHUNK)], tp[p], sem_i[p])

    def idx_wait(p):
        pltpu.make_async_copy(src_hbm.at[pl.ds(0, CHUNK)], sp[p], sem_i[p]).wait()
        pltpu.make_async_copy(dst_hbm.at[pl.ds(0, CHUNK)], tp[p], sem_i[p]).wait()

    def gather_start(p, rbuf):
        pltpu.async_copy(x_hbm.at[sp[p]], rbuf, sem_r[id(rbuf)])

    def gather_wait(p, rbuf):
        pltpu.make_async_copy(x_hbm.at[sp[p]], rbuf, sem_r[id(rbuf)]).wait()

    def scatter(rbuf, p):
        pltpu.sync_copy(rbuf, acc_sh.at[tp[p]], add=True)
        if with_deg:
            pltpu.sync_copy(ones_v, deg_sh.at[tp[p]], add=True)

    for p in range(NIDX):
        idx_start(p, p)
    idx_wait(0)
    gather_start(0, r_a)

    def step(q, _):
        j4 = 4 * q + 4
        idx_wait(1)
        gather_start(1, r_b)
        gather_wait(0, r_a)
        scatter(r_a, 0)
        idx_start(j4, 0)
        idx_wait(2)
        gather_start(2, r_a)
        gather_wait(1, r_b)
        scatter(r_b, 1)
        idx_start(j4 + 1, 1)
        idx_wait(3)
        gather_start(3, r_b)
        gather_wait(2, r_a)
        scatter(r_a, 2)
        idx_start(j4 + 2, 2)
        gather_wait(3, r_b)
        scatter(r_b, 3)
        idx_start(j4 + 3, 3)
        idx_wait(0)
        gather_start(0, r_a)
        return 0
    lax.fori_loop(0, NSTEPS // 4, step, 0)
    gather_wait(0, r_a)
    for p in range(1, NIDX):
        idx_wait(p)
    plsc.subcore_barrier()

    pltpu.sync_copy(acc_sh.at[pl.ds(r0, ROWS_PER_TILE)],
                    acc_out.at[c, pl.ds(r0, ROWS_PER_TILE)])
    if with_deg:
        pltpu.sync_copy(deg_sh.at[pl.ds(r0, ROWS_PER_TILE)],
                        deg_out.at[pl.ds(c * N_PAD + r0, ROWS_PER_TILE)])


def _make_seg_sum(with_deg, d):
    srcb = [pltpu.VMEM((CHUNK,), jnp.int32) for _ in range(NIDX)]
    dstb = [pltpu.VMEM((CHUNK,), jnp.int32) for _ in range(NIDX)]
    rows = [pltpu.VMEM((CHUNK, d), jnp.float32) for _ in range(NBUF)]
    sems = [pltpu.SemaphoreType.DMA for _ in range(2 + NIDX)]
    if with_deg:
        out_type = (jax.ShapeDtypeStruct((NC, N_PAD, d), jnp.float32),
                    jax.ShapeDtypeStruct((NC * N_PAD,), jnp.float32))
        scratch = srcb + dstb + rows + [
            pltpu.VMEM((CHUNK,), jnp.float32),
            pltpu.VMEM((ROWS_PER_TILE,), jnp.float32),
            pltpu.VMEM_SHARED((N_PAD, d), jnp.float32),
            pltpu.VMEM_SHARED((N_PAD,), jnp.float32),
        ] + sems
    else:
        out_type = jax.ShapeDtypeStruct((NC, N_PAD, d), jnp.float32)
        scratch = srcb + dstb + rows + [
            pltpu.VMEM_SHARED((N_PAD, d), jnp.float32),
        ] + sems
    return pl.kernel(
        functools.partial(_seg_sum_body, with_deg),
        out_type=out_type,
        mesh=plsc.VectorSubcoreMesh(core_axis_name="c", subcore_axis_name="s"),
        scratch_types=scratch,
    )


_BLK = 1000
_GRID = N_NODES // _BLK


def _dot(a, b):
    return jnp.dot(a, b, preferred_element_type=jnp.float32,
                   precision=lax.Precision.HIGHEST)


def _mid_body(x_ref, a0_ref, a1_ref, d0_ref, d1_ref, ws1_ref, wn1_ref,
              b1_ref, ws2_ref, wn2_ref, b2_ref, u_ref, p2_ref):
    deg = jnp.maximum(d0_ref[...] + d1_ref[...], 1.0)
    mean = (a0_ref[...] + a1_ref[...]) / deg
    h = _dot(x_ref[...], ws1_ref[...]) + _dot(mean, wn1_ref[...]) + b1_ref[...]
    h = jnp.maximum(h, 0.0)
    u_ref[...] = _dot(h, ws2_ref[...]) + b2_ref[...]
    p2_ref[...] = _dot(h, wn2_ref[...])


def _fin_body(u_ref, a0_ref, a1_ref, d0_ref, d1_ref, out_ref):
    deg = jnp.maximum(d0_ref[...] + d1_ref[...], 1.0)
    out_ref[...] = u_ref[...] + (a0_ref[...] + a1_ref[...]) / deg


def _row_spec(d):
    return pl.BlockSpec((_BLK, d), lambda i: (i, 0))


def _full_spec(r, c):
    return pl.BlockSpec((r, c), lambda i: (0, 0))


def kernel(x, edge_index, W_self1, W_neigh1, b1, W_self2, W_neigh2, b2):
    src = edge_index[0].astype(jnp.int32)
    dst = edge_index[1].astype(jnp.int32)
    npad_e = E_ALLOC - N_EDGES
    pad_src = jnp.arange(npad_e, dtype=jnp.int32) % N_NODES
    pad_dst = N_NODES + jnp.arange(npad_e, dtype=jnp.int32) % (N_PAD - N_NODES)
    src2 = jnp.concatenate([src, pad_src])
    dst2 = jnp.concatenate([dst, pad_dst])
    seg1 = _make_seg_sum(True, D_IN)
    agg1, deg_flat = seg1(x, src2, dst2)
    deg2 = deg_flat.reshape(NC, N_PAD)
    d0 = deg2[0][:, None]
    d1 = deg2[1][:, None]

    mid = pl.pallas_call(
        _mid_body,
        grid=(_GRID,),
        in_specs=[
            _row_spec(D_IN), _row_spec(D_IN), _row_spec(D_IN),
            _row_spec(1), _row_spec(1),
            _full_spec(D_IN, D_HID), _full_spec(D_IN, D_HID),
            _full_spec(1, D_HID),
            _full_spec(D_HID, D_OUT), _full_spec(D_HID, D_OUT),
            _full_spec(1, D_OUT),
        ],
        out_specs=[_row_spec(D_OUT), _row_spec(D_OUT)],
        out_shape=[
            jax.ShapeDtypeStruct((N_NODES, D_OUT), jnp.float32),
            jax.ShapeDtypeStruct((N_NODES, D_OUT), jnp.float32),
        ],
    )
    u, p2 = mid(x, agg1[0], agg1[1], d0, d1,
                W_self1, W_neigh1, b1.reshape(1, D_HID),
                W_self2, W_neigh2, b2.reshape(1, D_OUT))

    seg2 = _make_seg_sum(False, D_OUT)
    agg2 = seg2(p2, src2, dst2)

    fin = pl.pallas_call(
        _fin_body,
        grid=(_GRID,),
        in_specs=[
            _row_spec(D_OUT), _row_spec(D_OUT), _row_spec(D_OUT),
            _row_spec(1), _row_spec(1),
        ],
        out_specs=_row_spec(D_OUT),
        out_shape=jax.ShapeDtypeStruct((N_NODES, D_OUT), jnp.float32),
    )
    return fin(u, agg2[0], agg2[1], d0, d1)

# --- scband reference (transcript-rebuilt; emitter-appended) ---
"""Pipeline reference for scband-sbgnn-19542101197282 (READ-ONLY COPY).

The authoritative reference and input builder live on the scoring server;
editing this copy changes nothing except your own understanding.
"""

import jax, jax.numpy as jnp
import numpy as np

N_NODES = 10000
N_EDGES = 320000
D_IN = 128
D_HID = 256
D_OUT = 128


def setup_inputs(seed: int = 0) -> dict:
    key = jax.random.key(seed)
    ks = jax.random.split(key, 8)
    x = jax.random.normal(ks[0], (N_NODES, D_IN), dtype=jnp.float32)
    edge_index = jax.random.randint(ks[1], (2, N_EDGES), 0, N_NODES, dtype=jnp.int64)
    s1 = 1.0 / np.sqrt(D_IN)
    s2 = 1.0 / np.sqrt(D_HID)
    W_self1 = jax.random.uniform(ks[2], (D_IN, D_HID), jnp.float32, -s1, s1)
    W_neigh1 = jax.random.uniform(ks[3], (D_IN, D_HID), jnp.float32, -s1, s1)
    b1 = jnp.zeros((D_HID,), jnp.float32)
    W_self2 = jax.random.uniform(ks[4], (D_HID, D_OUT), jnp.float32, -s2, s2)
    W_neigh2 = jax.random.uniform(ks[5], (D_HID, D_OUT), jnp.float32, -s2, s2)
    b2 = jnp.zeros((D_OUT,), jnp.float32)
    return {"x": x, "edge_index": edge_index, "W_self1": W_self1,
            "W_neigh1": W_neigh1, "b1": b1, "W_self2": W_self2,
            "W_neigh2": W_neigh2, "b2": b2}


def _sage_conv(h, src, dst, n_nodes, W_self, W_neigh, b):
    # mean aggregation over incoming neighbors (SAGEConv with mean aggregator)
    msg = jnp.take(h, src, axis=0)                       # gather  [E, d]
    agg = jax.ops.segment_sum(msg, dst, num_segments=n_nodes)   # scatter-add
    deg = jax.ops.segment_sum(jnp.ones((src.shape[0],), h.dtype), dst,
                              num_segments=n_nodes)
    mean = agg / jnp.clip(deg, 1.0)[:, None]
    return h @ W_self + mean @ W_neigh + b


def reference(x, edge_index, W_self1, W_neigh1, b1, W_self2, W_neigh2, b2):
    # Faithful jax translation of SBGNN's GraphSAGE_NET core:
    #   x = relu(sage1(x, edge_index)); x = dropout(x) [identity in eval];
    #   x = sage2(x, edge_index)
    src = edge_index[0]
    dst = edge_index[1]
    n = x.shape[0]
    h = _sage_conv(x, src, dst, n, W_self1, W_neigh1, b1)
    h = jax.nn.relu(h)
    out = _sage_conv(h, src, dst, n, W_self2, W_neigh2, b2)
    return out

if __name__ == "__main__":
    import jax
    _d = setup_inputs()
    print(jax.jit(kernel)(*tuple(_d.values())))

</pallas_src>

<mosaic_0001>
#map = affine_map<(d0, d1) -> (0, 0)>
#map1 = affine_map<(d0, d1) -> (0)>
#map2 = affine_map<(d0, d1) -> (0, 0, 0)>
module attributes {stable_mosaic.version = 14 : i64} {
  func.func @_seg_sum_body(%arg0: i32, %arg1: i32, %arg2: memref<10000x128xf32, #tpu.memory_space<hbm>>, %arg3: memref<328192xi32, #tpu.memory_space<hbm>>, %arg4: memref<328192xi32, #tpu.memory_space<hbm>>, %arg5: memref<2x10240x128xf32, #tpu.memory_space<hbm>>, %arg6: memref<20480xf32, #tpu.memory_space<hbm>>, %arg7: memref<128xi32, #tpu.memory_space<vmem>>, %arg8: memref<128xi32, #tpu.memory_space<vmem>>, %arg9: memref<128xi32, #tpu.memory_space<vmem>>, %arg10: memref<128xi32, #tpu.memory_space<vmem>>, %arg11: memref<128xi32, #tpu.memory_space<vmem>>, %arg12: memref<128xi32, #tpu.memory_space<vmem>>, %arg13: memref<128xi32, #tpu.memory_space<vmem>>, %arg14: memref<128xi32, #tpu.memory_space<vmem>>, %arg15: memref<128x128xf32, #tpu.memory_space<vmem>>, %arg16: memref<128x128xf32, #tpu.memory_space<vmem>>, %arg17: memref<128xf32, #tpu.memory_space<vmem>>, %arg18: memref<640xf32, #tpu.memory_space<vmem>>, %arg19: memref<10240x128xf32, #tpu.memory_space<vmem_shared>>, %arg20: memref<10240xf32, #tpu.memory_space<vmem_shared>>, %arg21: memref<!tpu.dma_semaphore, #tpu.memory_space<semaphore_mem>>, %arg22: memref<!tpu.dma_semaphore, #tpu.memory_space<semaphore_mem>>, %arg23: memref<!tpu.dma_semaphore, #tpu.memory_space<semaphore_mem>>, %arg24: memref<!tpu.dma_semaphore, #tpu.memory_space<semaphore_mem>>, %arg25: memref<!tpu.dma_semaphore, #tpu.memory_space<semaphore_mem>>, %arg26: memref<!tpu.dma_semaphore, #tpu.memory_space<semaphore_mem>>) attributes {dimension_semantics = [#tpu.dimension_semantics<core_parallel>, #tpu.dimension_semantics<subcore_parallel>], iteration_bounds = array<i64: 2, 16>, scalar_prefetch = 0 : i64, scratch_operands = 20 : i64, tpu.core_type = #tpu.core_type<sc_vector_subcore>, window_params = [{transform_indices = #map}, {transform_indices = #map1}, {transform_indices = #map1}, {transform_indices = #map2}, {transform_indices = #map1}]} {
    %mul3A = arith.constant 2 : i32
    %mul3A_0 = arith.muli %arg1, %mul3A : i32
    %add3A = arith.addi %mul3A_0, %arg0 : i32
    %scan3A = arith.constant 0 : i32
    %scan3A_1 = arith.constant 0 : i32
    %scan3A_2 = arith.constant 1024 : i32
    %scan3A_3 = arith.addi %scan3A_1, %scan3A_2 : i32
    %scan3A_4 = arith.constant 1 : i32
    %scan3A_5 = scf.for %scan3A_123 = %scan3A_1 to %scan3A_3 step %scan3A_4 iter_args(%scan3A_124 = %scan3A) -> (i32)  : i32 {
      %jit3A = arith.constant 8 : i32
      %div3A = arith.divsi %scan3A_123, %jit3A : i32
      %sign3A = arith.constant 0 : i32
      %sign3A_125 = arith.cmpi sgt, %scan3A_123, %sign3A : i32
      %sign3A_126 = arith.extui %sign3A_125 : i1 to i32
      %sign3A_127 = arith.constant 0 : i32
      %sign3A_128 = arith.cmpi slt, %scan3A_123, %sign3A_127 : i32
      %sign3A_129 = arith.extui %sign3A_128 : i1 to i32
      %sign3A_130 = arith.subi %sign3A_126, %sign3A_129 : i32
      %sign3A_131 = arith.constant 0 : i32
      %sign3A_132 = arith.cmpi sgt, %jit3A, %sign3A_131 : i32
      %sign3A_133 = arith.extui %sign3A_132 : i1 to i32
      %sign3A_134 = arith.constant 0 : i32
      %sign3A_135 = arith.cmpi slt, %jit3A, %sign3A_134 : i32
      %sign3A_136 = arith.extui %sign3A_135 : i1 to i32
      %sign3A_137 = arith.subi %sign3A_133, %sign3A_136 : i32
      %ne3A = arith.cmpi ne, %sign3A_130, %sign3A_137 : i32
      %rem3A = arith.remsi %scan3A_123, %jit3A : i32
      %ne3A_138 = arith.constant 0 : i32
      %ne3A_139 = arith.cmpi ne, %rem3A, %ne3A_138 : i32
      %and3A = arith.andi %ne3A, %ne3A_139 : i1
      %sub3A = arith.constant 1 : i32
      %sub3A_140 = arith.subi %div3A, %sub3A : i32
      %select_n3A = arith.select %and3A, %sub3A_140, %div3A : i32
      %jit3A_141 = arith.constant 8 : i32
      %eq3A = arith.constant 0 : i32
      %eq3A_142 = arith.cmpi eq, %jit3A_141, %eq3A : i32
      %jit3A_143 = arith.constant 1 : i32
      %select_n3A_144 = arith.select %eq3A_142, %jit3A_143, %jit3A_141 : i32
      %rem3A_145 = arith.remsi %scan3A_123, %select_n3A_144 : i32
      %ne3A_146 = arith.constant 0 : i32
      %ne3A_147 = arith.cmpi ne, %rem3A_145, %ne3A_146 : i32
      %lt3A = arith.constant 0 : i32
      %lt3A_148 = arith.cmpi slt, %rem3A_145, %lt3A : i32
      %lt3A_149 = arith.constant 0 : i32
      %lt3A_150 = arith.cmpi slt, %select_n3A_144, %lt3A_149 : i32
      %ne3A_151 = arith.xori %lt3A_148, %lt3A_150 : i1
      %and3A_152 = arith.andi %ne3A_151, %ne3A_147 : i1
      %add3A_153 = arith.addi %rem3A_145, %select_n3A_144 : i32
      %select_n3A_154 = arith.select %and3A_152, %add3A_153, %rem3A_145 : i32
      %mul3A_155 = arith.constant 16 : i32
      %mul3A_156 = arith.muli %select_n3A_154, %mul3A_155 : i32
      %broadcast_in_dim3A = arith.constant 0.000000e+00 : f32
      %broadcast_in_dim3A_157 = vector.broadcast %broadcast_in_dim3A : f32 to vector<16xf32>
      %swap3A = arith.index_cast %select_n3A : i32 to index
      %swap3A_158 = arith.index_cast %mul3A_156 : i32 to index
      %swap3A_159 = tpu.vector_load %arg15[%swap3A, %swap3A_158] {strides = array<i32>} : memref<128x128xf32, #tpu.memory_space<vmem>>, vector<1x16xf32>,
      %swap3A_160 = vector.shape_cast %swap3A_159 : vector<1x16xf32> to vector<16xf32>
      %swap3A_161 = vector.shape_cast %broadcast_in_dim3A_157 : vector<16xf32> to vector<1x16xf32>
      tpu.vector_store %arg15[%swap3A, %swap3A_158], %swap3A_161 {strides = array<i32>} : memref<128x128xf32, #tpu.memory_space<vmem>>, vector<1x16xf32>,
      %scan3A_162 = arith.constant 0 : i32
      scf.yield %scan3A_162 : i32
    }
    %scan3A_6 = arith.constant 1024 : i32
    %scan3A_7 = arith.constant 0 : i32
    %scan3A_8 = arith.constant 0 : i32
    %scan3A_9 = arith.constant 8 : i32
    %scan3A_10 = arith.addi %scan3A_8, %scan3A_9 : i32
    %scan3A_11 = arith.constant 1 : i32
    %scan3A_12 = scf.for %scan3A_123 = %scan3A_8 to %scan3A_10 step %scan3A_11 iter_args(%scan3A_124 = %scan3A_7) -> (i32)  : i32 {
      %broadcast_in_dim3A = arith.constant 1.000000e+00 : f32
      %broadcast_in_dim3A_125 = vector.broadcast %broadcast_in_dim3A : f32 to vector<16xf32>
      %mul3A_126 = arith.constant 16 : i32
      %mul3A_127 = arith.muli %scan3A_123, %mul3A_126 : i32
      %swap3A = arith.index_cast %mul3A_127 : i32 to index
      %swap3A_128 = tpu.vector_load %arg17[%swap3A] {strides = array<i32>} : memref<128xf32, #tpu.memory_space<vmem>>, vector<16xf32>,
      %swap3A_129 = vector.shape_cast %swap3A_128 : vector<16xf32> to vector<16xf32>
      %swap3A_130 = vector.shape_cast %broadcast_in_dim3A_125 : vector<16xf32> to vector<16xf32>
      tpu.vector_store %arg17[%swap3A], %swap3A_130 {strides = array<i32>} : memref<128xf32, #tpu.memory_space<vmem>>, vector<16xf32>,
      %scan3A_131 = arith.constant 0 : i32
      scf.yield %scan3A_131 : i32
    }
    %scan3A_13 = arith.constant 8 : i32
    %scan3A_14 = arith.constant 0 : i32
    %scan3A_15 = arith.constant 0 : i32
    %scan3A_16 = arith.constant 40 : i32
    %scan3A_17 = arith.addi %scan3A_15, %scan3A_16 : i32
    %scan3A_18 = arith.constant 1 : i32
    %scan3A_19 = scf.for %scan3A_123 = %scan3A_15 to %scan3A_17 step %scan3A_18 iter_args(%scan3A_124 = %scan3A_14) -> (i32)  : i32 {
      %broadcast_in_dim3A = arith.constant 0.000000e+00 : f32
      %broadcast_in_dim3A_125 = vector.broadcast %broadcast_in_dim3A : f32 to vector<16xf32>
      %mul3A_126 = arith.constant 16 : i32
      %mul3A_127 = arith.muli %scan3A_123, %mul3A_126 : i32
      %swap3A = arith.index_cast %mul3A_127 : i32 to index
      %swap3A_128 = tpu.vector_load %arg18[%swap3A] {strides = array<i32>} : memref<640xf32, #tpu.memory_space<vmem>>, vector<16xf32>,
      %swap3A_129 = vector.shape_cast %swap3A_128 : vector<16xf32> to vector<16xf32>
      %swap3A_130 = vector.shape_cast %broadcast_in_dim3A_125 : vector<16xf32> to vector<16xf32>
      tpu.vector_store %arg18[%swap3A], %swap3A_130 {strides = array<i32>} : memref<640xf32, #tpu.memory_space<vmem>>, vector<16xf32>,
      %scan3A_131 = arith.constant 0 : i32
      scf.yield %scan3A_131 : i32
    }
    %scan3A_20 = arith.constant 40 : i32
    %mul3A_21 = arith.constant 640 : i32
    %mul3A_22 = arith.muli %arg1, %mul3A_21 : i32
    %add3A_23 = arith.constant 0 : i32
    %add3A_24 = arith.addi %mul3A_22, %add3A_23 : i32
    "tpu.region"() ({
      %run_scoped3A = tpu.sem_alloc : memref<!tpu.dma_semaphore, #tpu.memory_space<semaphore_mem>>
      %dma_start3A_123 = arith.constant 0 : i32
      %dma_start3A_124 = tpu.memref_slice %arg19[%add3A_24, %dma_start3A_123] : memref<10240x128xf32, #tpu.memory_space<vmem_shared>> -> memref<128x128xf32, #tpu.memory_space<vmem_shared>>
      %dma_start3A_125 = arith.constant 0 : i32
      %dma_start3A_126 = tpu.memref_slice %arg19[%add3A_24, %dma_start3A_125] : memref<10240x128xf32, #tpu.memory_space<vmem_shared>> -> memref<128x128xf32, #tpu.memory_space<vmem_shared>>
      tpu.enqueue_dma source(%arg15 : memref<128x128xf32, #tpu.memory_space<vmem>>) target(%dma_start3A_126 : memref<128x128xf32, #tpu.memory_space<vmem_shared>>) target_semaphore(%run_scoped3A : memref<!tpu.dma_semaphore, #tpu.memory_space<semaphore_mem>>)
      %dma_wait3A_127 = arith.constant 0 : i32
      %dma_wait3A_128 = tpu.memref_slice %arg19[%add3A_24, %dma_wait3A_127] : memref<10240x128xf32, #tpu.memory_space<vmem_shared>> -> memref<128x128xf32, #tpu.memory_space<vmem_shared>>
      %dma_wait3A_129 = arith.constant 0 : i32
      %dma_wait3A_130 = tpu.memref_slice %arg19[%add3A_24, %dma_wait3A_129] : memref<10240x128xf32, #tpu.memory_space<vmem_shared>> -> memref<128x128xf32, #tpu.memory_space<vmem_shared>>
      tpu.wait_dma2 semaphore(%run_scoped3A : memref<!tpu.dma_semaphore, #tpu.memory_space<semaphore_mem>>) src(%arg15 : memref<128x128xf32, #tpu.memory_space<vmem>>) dst(%dma_wait3A_130 : memref<128x128xf32, #tpu.memory_space<vmem_shared>>)
      tpu.yield
    }) : () -> ()
    %add3A_25 = arith.constant 128 : i32
    %add3A_26 = arith.addi %mul3A_22, %add3A_25 : i32
    "tpu.region"() ({
      %run_scoped3A = tpu.sem_alloc : memref<!tpu.dma_semaphore, #tpu.memory_space<semaphore_mem>>
      %dma_start3A_123 = arith.constant 0 : i32
      %dma_start3A_124 = tpu.memref_slice %arg19[%add3A_26, %dma_start3A_123] : memref<10240x128xf32, #tpu.memory_space<vmem_shared>> -> memref<128x128xf32, #tpu.memory_space<vmem_shared>>
      %dma_start3A_125 = arith.constant 0 : i32
      %dma_start3A_126 = tpu.memref_slice %arg19[%add3A_26, %dma_start3A_125] : memref<10240x128xf32, #tpu.memory_space<vmem_shared>> -> memref<128x128xf32, #tpu.memory_space<vmem_shared>>
      tpu.enqueue_dma source(%arg15 : memref<128x128xf32, #tpu.memory_space<vmem>>) target(%dma_start3A_126 : memref<128x128xf32, #tpu.memory_space<vmem_shared>>) target_semaphore(%run_scoped3A : memref<!tpu.dma_semaphore, #tpu.memory_space<semaphore_mem>>)
      %dma_wait3A_127 = arith.constant 0 : i32
      %dma_wait3A_128 = tpu.memref_slice %arg19[%add3A_26, %dma_wait3A_127] : memref<10240x128xf32, #tpu.memory_space<vmem_shared>> -> memref<128x128xf32, #tpu.memory_space<vmem_shared>>
      %dma_wait3A_129 = arith.constant 0 : i32
      %dma_wait3A_130 = tpu.memref_slice %arg19[%add3A_26, %dma_wait3A_129] : memref<10240x128xf32, #tpu.memory_space<vmem_shared>> -> memref<128x128xf32, #tpu.memory_space<vmem_shared>>
      tpu.wait_dma2 semaphore(%run_scoped3A : memref<!tpu.dma_semaphore, #tpu.memory_space<semaphore_mem>>) src(%arg15 : memref<128x128xf32, #tpu.memory_space<vmem>>) dst(%dma_wait3A_130 : memref<128x128xf32, #tpu.memory_space<vmem_shared>>)
      tpu.yield
    }) : () -> ()
    %add3A_27 = arith.constant 256 : i32
    %add3A_28 = arith.addi %mul3A_22, %add3A_27 : i32
    "tpu.region"() ({
      %run_scoped3A = tpu.sem_alloc : memref<!tpu.dma_semaphore, #tpu.memory_space<semaphore_mem>>
      %dma_start3A_123 = arith.constant 0 : i32
      %dma_start3A_124 = tpu.memref_slice %arg19[%add3A_28, %dma_start3A_123] : memref<10240x128xf32, #tpu.memory_space<vmem_shared>> -> memref<128x128xf32, #tpu.memory_space<vmem_shared>>
      %dma_start3A_125 = arith.constant 0 : i32
      %dma_start3A_126 = tpu.memref_slice %arg19[%add3A_28, %dma_start3A_125] : memref<10240x128xf32, #tpu.memory_space<vmem_shared>> -> memref<128x128xf32, #tpu.memory_space<vmem_shared>>
      tpu.enqueue_dma source(%arg15 : memref<128x128xf32, #tpu.memory_space<vmem>>) target(%dma_start3A_126 : memref<128x128xf32, #tpu.memory_space<vmem_shared>>) target_semaphore(%run_scoped3A : memref<!tpu.dma_semaphore, #tpu.memory_space<semaphore_mem>>)
      %dma_wait3A_127 = arith.constant 0 : i32
      %dma_wait3A_128 = tpu.memref_slice %arg19[%add3A_28, %dma_wait3A_127] : memref<10240x128xf32, #tpu.memory_space<vmem_shared>> -> memref<128x128xf32, #tpu.memory_space<vmem_shared>>
      %dma_wait3A_129 = arith.constant 0 : i32
      %dma_wait3A_130 = tpu.memref_slice %arg19[%add3A_28, %dma_wait3A_129] : memref<10240x128xf32, #tpu.memory_space<vmem_shared>> -> memref<128x128xf32, #tpu.memory_space<vmem_shared>>
      tpu.wait_dma2 semaphore(%run_scoped3A : memref<!tpu.dma_semaphore, #tpu.memory_space<semaphore_mem>>) src(%arg15 : memref<128x128xf32, #tpu.memory_space<vmem>>) dst(%dma_wait3A_130 : memref<128x128xf32, #tpu.memory_space<vmem_shared>>)
      tpu.yield
    }) : () -> ()
    %add3A_29 = arith.constant 384 : i32
    %add3A_30 = arith.addi %mul3A_22, %add3A_29 : i32
    "tpu.region"() ({
      %run_scoped3A = tpu.sem_alloc : memref<!tpu.dma_semaphore, #tpu.memory_space<semaphore_mem>>
      %dma_start3A_123 = arith.constant 0 : i32
      %dma_start3A_124 = tpu.memref_slice %arg19[%add3A_30, %dma_start3A_123] : memref<10240x128xf32, #tpu.memory_space<vmem_shared>> -> memref<128x128xf32, #tpu.memory_space<vmem_shared>>
      %dma_start3A_125 = arith.constant 0 : i32
      %dma_start3A_126 = tpu.memref_slice %arg19[%add3A_30, %dma_start3A_125] : memref<10240x128xf32, #tpu.memory_space<vmem_shared>> -> memref<128x128xf32, #tpu.memory_space<vmem_shared>>
      tpu.enqueue_dma source(%arg15 : memref<128x128xf32, #tpu.memory_space<vmem>>) target(%dma_start3A_126 : memref<128x128xf32, #tpu.memory_space<vmem_shared>>) target_semaphore(%run_scoped3A : memref<!tpu.dma_semaphore, #tpu.memory_space<semaphore_mem>>)
      %dma_wait3A_127 = arith.constant 0 : i32
      %dma_wait3A_128 = tpu.memref_slice %arg19[%add3A_30, %dma_wait3A_127] : memref<10240x128xf32, #tpu.memory_space<vmem_shared>> -> memref<128x128xf32, #tpu.memory_space<vmem_shared>>
      %dma_wait3A_129 = arith.constant 0 : i32
      %dma_wait3A_130 = tpu.memref_slice %arg19[%add3A_30, %dma_wait3A_129] : memref<10240x128xf32, #tpu.memory_space<vmem_shared>> -> memref<128x128xf32, #tpu.memory_space<vmem_shared>>
      tpu.wait_dma2 semaphore(%run_scoped3A : memref<!tpu.dma_semaphore, #tpu.memory_space<semaphore_mem>>) src(%arg15 : memref<128x128xf32, #tpu.memory_space<vmem>>) dst(%dma_wait3A_130 : memref<128x128xf32, #tpu.memory_space<vmem_shared>>)
      tpu.yield
    }) : () -> ()
    %add3A_31 = arith.constant 512 : i32
    %add3A_32 = arith.addi %mul3A_22, %add3A_31 : i32
    "tpu.region"() ({
      %run_scoped3A = tpu.sem_alloc : memref<!tpu.dma_semaphore, #tpu.memory_space<semaphore_mem>>
      %dma_start3A_123 = arith.constant 0 : i32
      %dma_start3A_124 = tpu.memref_slice %arg19[%add3A_32, %dma_start3A_123] : memref<10240x128xf32, #tpu.memory_space<vmem_shared>> -> memref<128x128xf32, #tpu.memory_space<vmem_shared>>
      %dma_start3A_125 = arith.constant 0 : i32
      %dma_start3A_126 = tpu.memref_slice %arg19[%add3A_32, %dma_start3A_125] : memref<10240x128xf32, #tpu.memory_space<vmem_shared>> -> memref<128x128xf32, #tpu.memory_space<vmem_shared>>
      tpu.enqueue_dma source(%arg15 : memref<128x128xf32, #tpu.memory_space<vmem>>) target(%dma_start3A_126 : memref<128x128xf32, #tpu.memory_space<vmem_shared>>) target_semaphore(%run_scoped3A : memref<!tpu.dma_semaphore, #tpu.memory_space<semaphore_mem>>)
      %dma_wait3A_127 = arith.constant 0 : i32
      %dma_wait3A_128 = tpu.memref_slice %arg19[%add3A_32, %dma_wait3A_127] : memref<10240x128xf32, #tpu.memory_space<vmem_shared>> -> memref<128x128xf32, #tpu.memory_space<vmem_shared>>
      %dma_wait3A_129 = arith.constant 0 : i32
      %dma_wait3A_130 = tpu.memref_slice %arg19[%add3A_32, %dma_wait3A_129] : memref<10240x128xf32, #tpu.memory_space<vmem_shared>> -> memref<128x128xf32, #tpu.memory_space<vmem_shared>>
      tpu.wait_dma2 semaphore(%run_scoped3A : memref<!tpu.dma_semaphore, #tpu.memory_space<semaphore_mem>>) src(%arg15 : memref<128x128xf32, #tpu.memory_space<vmem>>) dst(%dma_wait3A_130 : memref<128x128xf32, #tpu.memory_space<vmem_shared>>)
      tpu.yield
    }) : () -> ()
    "tpu.region"() ({
      %run_scoped3A = tpu.sem_alloc : memref<!tpu.dma_semaphore, #tpu.memory_space<semaphore_mem>>
      %dma_start3A_123 = tpu.memref_slice %arg20[%mul3A_22] : memref<10240xf32, #tpu.memory_space<vmem_shared>> -> memref<640xf32, #tpu.memory_space<vmem_shared>>
      %dma_start3A_124 = tpu.memref_slice %arg20[%mul3A_22] : memref<10240xf32, #tpu.memory_space<vmem_shared>> -> memref<640xf32, #tpu.memory_space<vmem_shared>>
      tpu.enqueue_dma source(%arg18 : memref<640xf32, #tpu.memory_space<vmem>>) target(%dma_start3A_124 : memref<640xf32, #tpu.memory_space<vmem_shared>>) target_semaphore(%run_scoped3A : memref<!tpu.dma_semaphore, #tpu.memory_space<semaphore_mem>>)
      %dma_wait3A_125 = tpu.memref_slice %arg20[%mul3A_22] : memref<10240xf32, #tpu.memory_space<vmem_shared>> -> memref<640xf32, #tpu.memory_space<vmem_shared>>
      %dma_wait3A_126 = tpu.memref_slice %arg20[%mul3A_22] : memref<10240xf32, #tpu.memory_space<vmem_shared>> -> memref<640xf32, #tpu.memory_space<vmem_shared>>
      tpu.wait_dma2 semaphore(%run_scoped3A : memref<!tpu.dma_semaphore, #tpu.memory_space<semaphore_mem>>) src(%arg18 : memref<640xf32, #tpu.memory_space<vmem>>) dst(%dma_wait3A_126 : memref<640xf32, #tpu.memory_space<vmem_shared>>)
      tpu.yield
    }) : () -> ()
    %barrier3A = arith.constant 0 : index
    tpu.barrier barrier_id(%barrier3A)
    %mul3A_33 = arith.constant 80 : i32
    %mul3A_34 = arith.muli %add3A, %mul3A_33 : i32
    %add3A_35 = arith.constant 0 : i32
    %add3A_36 = arith.addi %mul3A_34, %add3A_35 : i32
    %mul3A_37 = arith.constant 128 : i32
    %mul3A_38 = arith.muli %add3A_36, %mul3A_37 : i32
    %multiple_of3A = tpu.assume_multiple %mul3A_38, 128 : i32
    %dma_start3A = tpu.memref_slice %arg3[%multiple_of3A] : memref<328192xi32, #tpu.memory_space<hbm>> -> memref<128xi32, #tpu.memory_space<hbm>>
    %dma_start3A_39 = tpu.memref_slice %arg3[%multiple_of3A] : memref<328192xi32, #tpu.memory_space<hbm>> -> memref<128xi32, #tpu.memory_space<hbm>>
    tpu.enqueue_dma source(%dma_start3A_39 : memref<128xi32, #tpu.memory_space<hbm>>) target(%arg7 : memref<128xi32, #tpu.memory_space<vmem>>) target_semaphore(%arg23 : memref<!tpu.dma_semaphore, #tpu.memory_space<semaphore_mem>>)
    %dma_start3A_40 = tpu.memref_slice %arg4[%multiple_of3A] : memref<328192xi32, #tpu.memory_space<hbm>> -> memref<128xi32, #tpu.memory_space<hbm>>
    %dma_start3A_41 = tpu.memref_slice %arg4[%multiple_of3A] : memref<328192xi32, #tpu.memory_space<hbm>> -> memref<128xi32, #tpu.memory_space<hbm>>
    tpu.enqueue_dma source(%dma_start3A_41 : memref<128xi32, #tpu.memory_space<hbm>>) target(%arg11 : memref<128xi32, #tpu.memory_space<vmem>>) target_semaphore(%arg23 : memref<!tpu.dma_semaphore, #tpu.memory_space<semaphore_mem>>)
    %mul3A_42 = arith.constant 80 : i32
    %mul3A_43 = arith.muli %add3A, %mul3A_42 : i32
    %add3A_44 = arith.constant 1 : i32
    %add3A_45 = arith.addi %mul3A_43, %add3A_44 : i32
    %mul3A_46 = arith.constant 128 : i32
    %mul3A_47 = arith.muli %add3A_45, %mul3A_46 : i32
    %multiple_of3A_48 = tpu.assume_multiple %mul3A_47, 128 : i32
    %dma_start3A_49 = tpu.memref_slice %arg3[%multiple_of3A_48] : memref<328192xi32, #tpu.memory_space<hbm>> -> memref<128xi32, #tpu.memory_space<hbm>>
    %dma_start3A_50 = tpu.memref_slice %arg3[%multiple_of3A_48] : memref<328192xi32, #tpu.memory_space<hbm>> -> memref<128xi32, #tpu.memory_space<hbm>>
    tpu.enqueue_dma source(%dma_start3A_50 : memref<128xi32, #tpu.memory_space<hbm>>) target(%arg8 : memref<128xi32, #tpu.memory_space<vmem>>) target_semaphore(%arg24 : memref<!tpu.dma_semaphore, #tpu.memory_space<semaphore_mem>>)
    %dma_start3A_51 = tpu.memref_slice %arg4[%multiple_of3A_48] : memref<328192xi32, #tpu.memory_space<hbm>> -> memref<128xi32, #tpu.memory_space<hbm>>
    %dma_start3A_52 = tpu.memref_slice %arg4[%multiple_of3A_48] : memref<328192xi32, #tpu.memory_space<hbm>> -> memref<128xi32, #tpu.memory_space<hbm>>
    tpu.enqueue_dma source(%dma_start3A_52 : memref<128xi32, #tpu.memory_space<hbm>>) target(%arg12 : memref<128xi32, #tpu.memory_space<vmem>>) target_semaphore(%arg24 : memref<!tpu.dma_semaphore, #tpu.memory_space<semaphore_mem>>)
    %mul3A_53 = arith.constant 80 : i32
    %mul3A_54 = arith.muli %add3A, %mul3A_53 : i32
    %add3A_55 = arith.constant 2 : i32
    %add3A_56 = arith.addi %mul3A_54, %add3A_55 : i32
    %mul3A_57 = arith.constant 128 : i32
    %mul3A_58 = arith.muli %add3A_56, %mul3A_57 : i32
    %multiple_of3A_59 = tpu.assume_multiple %mul3A_58, 128 : i32
    %dma_start3A_60 = tpu.memref_slice %arg3[%multiple_of3A_59] : memref<328192xi32, #tpu.memory_space<hbm>> -> memref<128xi32, #tpu.memory_space<hbm>>
    %dma_start3A_61 = tpu.memref_slice %arg3[%multiple_of3A_59] : memref<328192xi32, #tpu.memory_space<hbm>> -> memref<128xi32, #tpu.memory_space<hbm>>
    tpu.enqueue_dma source(%dma_start3A_61 : memref<128xi32, #tpu.memory_space<hbm>>) target(%arg9 : memref<128xi32, #tpu.memory_space<vmem>>) target_semaphore(%arg25 : memref<!tpu.dma_semaphore, #tpu.memory_space<semaphore_mem>>)
    %dma_start3A_62 = tpu.memref_slice %arg4[%multiple_of3A_59] : memref<328192xi32, #tpu.memory_space<hbm>> -> memref<128xi32, #tpu.memory_space<hbm>>
    %dma_start3A_63 = tpu.memref_slice %arg4[%multiple_of3A_59] : memref<328192xi32, #tpu.memory_space<hbm>> -> memref<128xi32, #tpu.memory_space<hbm>>
    tpu.enqueue_dma source(%dma_start3A_63 : memref<128xi32, #tpu.memory_space<hbm>>) target(%arg13 : memref<128xi32, #tpu.memory_space<vmem>>) target_semaphore(%arg25 : memref<!tpu.dma_semaphore, #tpu.memory_space<semaphore_mem>>)
    %mul3A_64 = arith.constant 80 : i32
    %mul3A_65 = arith.muli %add3A, %mul3A_64 : i32
    %add3A_66 = arith.constant 3 : i32
    %add3A_67 = arith.addi %mul3A_65, %add3A_66 : i32
    %mul3A_68 = arith.constant 128 : i32
    %mul3A_69 = arith.muli %add3A_67, %mul3A_68 : i32
    %multiple_of3A_70 = tpu.assume_multiple %mul3A_69, 128 : i32
    %dma_start3A_71 = tpu.memref_slice %arg3[%multiple_of3A_70] : memref<328192xi32, #tpu.memory_space<hbm>> -> memref<128xi32, #tpu.memory_space<hbm>>
    %dma_start3A_72 = tpu.memref_slice %arg3[%multiple_of3A_70] : memref<328192xi32, #tpu.memory_space<hbm>> -> memref<128xi32, #tpu.memory_space<hbm>>
    tpu.enqueue_dma source(%dma_start3A_72 : memref<128xi32, #tpu.memory_space<hbm>>) target(%arg10 : memref<128xi32, #tpu.memory_space<vmem>>) target_semaphore(%arg26 : memref<!tpu.dma_semaphore, #tpu.memory_space<semaphore_mem>>)
    %dma_start3A_73 = tpu.memref_slice %arg4[%multiple_of3A_70] : memref<328192xi32, #tpu.memory_space<hbm>> -> memref<128xi32, #tpu.memory_space<hbm>>
    %dma_start3A_74 = tpu.memref_slice %arg4[%multiple_of3A_70] : memref<328192xi32, #tpu.memory_space<hbm>> -> memref<128xi32, #tpu.memory_space<hbm>>
    tpu.enqueue_dma source(%dma_start3A_74 : memref<128xi32, #tpu.memory_space<hbm>>) target(%arg14 : memref<128xi32, #tpu.memory_space<vmem>>) target_semaphore(%arg26 : memref<!tpu.dma_semaphore, #tpu.memory_space<semaphore_mem>>)
    %dma_wait3A = arith.constant 0 : i32
    %dma_wait3A_75 = tpu.memref_slice %arg3[%dma_wait3A] : memref<328192xi32, #tpu.memory_space<hbm>> -> memref<128xi32, #tpu.memory_space<hbm>>
    %dma_wait3A_76 = arith.constant 0 : i32
    %dma_wait3A_77 = tpu.memref_slice %arg3[%dma_wait3A_76] : memref<328192xi32, #tpu.memory_space<hbm>> -> memref<128xi32, #tpu.memory_space<hbm>>
    tpu.wait_dma2 semaphore(%arg23 : memref<!tpu.dma_semaphore, #tpu.memory_space<semaphore_mem>>) src(%dma_wait3A_77 : memref<128xi32, #tpu.memory_space<hbm>>) dst(%arg7 : memref<128xi32, #tpu.memory_space<vmem>>)
    %dma_wait3A_78 = arith.constant 0 : i32
    %dma_wait3A_79 = tpu.memref_slice %arg4[%dma_wait3A_78] : memref<328192xi32, #tpu.memory_space<hbm>> -> memref<128xi32, #tpu.memory_space<hbm>>
    %dma_wait3A_80 = arith.constant 0 : i32
    %dma_wait3A_81 = tpu.memref_slice %arg4[%dma_wait3A_80] : memref<328192xi32, #tpu.memory_space<hbm>> -> memref<128xi32, #tpu.memory_space<hbm>>
    tpu.wait_dma2 semaphore(%arg23 : memref<!tpu.dma_semaphore, #tpu.memory_space<semaphore_mem>>) src(%dma_wait3A_81 : memref<128xi32, #tpu.memory_space<hbm>>) dst(%arg11 : memref<128xi32, #tpu.memory_space<vmem>>)
    %dma_start3A_82 = arith.constant 0 : i32
    %dma_start3A_83 = arith.constant 0 : i32
    %dma_start3A_84 = tpu.memref_slice %arg2[%dma_start3A_82, %dma_start3A_83] : memref<10000x128xf32, #tpu.memory_space<hbm>> -> memref<10000x128xf32, #tpu.memory_space<hbm>>
    tpu.enqueue_indirect_dma source(%dma_start3A_84 : memref<10000x128xf32, #tpu.memory_space<hbm>>) target(%arg15 : memref<128x128xf32, #tpu.memory_space<vmem>>) offsets(%arg7 : memref<128xi32, #tpu.memory_space<vmem>>) semaphore(%arg21 : memref<!tpu.dma_semaphore, #tpu.memory_space<semaphore_mem>>)
    %scan3A_85 = arith.constant 0 : i32
    %scan3A_86 = arith.constant 0 : i32
    %scan3A_87 = arith.constant 20 : i32
    %scan3A_88 = arith.addi %scan3A_86, %scan3A_87 : i32
    %scan3A_89 = arith.constant 1 : i32
    %scan3A_90 = scf.for %scan3A_123 = %scan3A_86 to %scan3A_88 step %scan3A_89 iter_args(%scan3A_124 = %scan3A_85) -> (i32)  : i32 {
      %mul3A_125 = arith.constant 4 : i32
      %mul3A_126 = arith.muli %mul3A_125, %scan3A_123 : i32
      %add3A_127 = arith.constant 4 : i32
      %add3A_128 = arith.addi %mul3A_126, %add3A_127 : i32
      %dma_wait3A_129 = arith.constant 0 : i32
      %dma_wait3A_130 = tpu.memref_slice %arg3[%dma_wait3A_129] : memref<328192xi32, #tpu.memory_space<hbm>> -> memref<128xi32, #tpu.memory_space<hbm>>
      %dma_wait3A_131 = arith.constant 0 : i32
      %dma_wait3A_132 = tpu.memref_slice %arg3[%dma_wait3A_131] : memref<328192xi32, #tpu.memory_space<hbm>> -> memref<128xi32, #tpu.memory_space<hbm>>
      tpu.wait_dma2 semaphore(%arg24 : memref<!tpu.dma_semaphore, #tpu.memory_space<semaphore_mem>>) src(%dma_wait3A_132 : memref<128xi32, #tpu.memory_space<hbm>>) dst(%arg8 : memref<128xi32, #tpu.memory_space<vmem>>)
      %dma_wait3A_133 = arith.constant 0 : i32
      %dma_wait3A_134 = tpu.memref_slice %arg4[%dma_wait3A_133] : memref<328192xi32, #tpu.memory_space<hbm>> -> memref<128xi32, #tpu.memory_space<hbm>>
      %dma_wait3A_135 = arith.constant 0 : i32
      %dma_wait3A_136 = tpu.memref_slice %arg4[%dma_wait3A_135] : memref<328192xi32, #tpu.memory_space<hbm>> -> memref<128xi32, #tpu.memory_space<hbm>>
      tpu.wait_dma2 semaphore(%arg24 : memref<!tpu.dma_semaphore, #tpu.memory_space<semaphore_mem>>) src(%dma_wait3A_136 : memref<128xi32, #tpu.memory_space<hbm>>) dst(%arg12 : memref<128xi32, #tpu.memory_space<vmem>>)
      %dma_start3A_137 = arith.constant 0 : i32
      %dma_start3A_138 = arith.constant 0 : i32
      %dma_start3A_139 = tpu.memref_slice %arg2[%dma_start3A_137, %dma_start3A_138] : memref<10000x128xf32, #tpu.memory_space<hbm>> -> memref<10000x128xf32, #tpu.memory_space<hbm>>
      tpu.enqueue_indirect_dma source(%dma_start3A_139 : memref<10000x128xf32, #tpu.memory_space<hbm>>) target(%arg16 : memref<128x128xf32, #tpu.memory_space<vmem>>) offsets(%arg8 : memref<128xi32, #tpu.memory_space<vmem>>) semaphore(%arg22 : memref<!tpu.dma_semaphore, #tpu.memory_space<semaphore_mem>>)
      %dma_wait3A_140 = arith.constant 0 : i32
      %dma_wait3A_141 = arith.constant 0 : i32
      %dma_wait3A_142 = tpu.memref_slice %arg2[%dma_wait3A_140, %dma_wait3A_141] : memref<10000x128xf32, #tpu.memory_space<hbm>> -> memref<10000x128xf32, #tpu.memory_space<hbm>>
      tpu.wait_indirect_dma semaphore(%arg21 : memref<!tpu.dma_semaphore, #tpu.memory_space<semaphore_mem>>) src(%dma_wait3A_142 : memref<10000x128xf32, #tpu.memory_space<hbm>>) dst(%arg15 : memref<128x128xf32, #tpu.memory_space<vmem>>)
      "tpu.region"() ({
        %run_scoped3A = tpu.sem_alloc : memref<!tpu.dma_semaphore, #tpu.memory_space<semaphore_mem>>
        %dma_start3A_232 = arith.constant 0 : i32
        %dma_start3A_233 = arith.constant 0 : i32
        %dma_start3A_234 = tpu.memref_slice %arg19[%dma_start3A_232, %dma_start3A_233] : memref<10240x128xf32, #tpu.memory_space<vmem_shared>> -> memref<10240x128xf32, #tpu.memory_space<vmem_shared>>
        tpu.enqueue_indirect_dma source(%arg15 : memref<128x128xf32, #tpu.memory_space<vmem>>) target(%dma_start3A_234 : memref<10240x128xf32, #tpu.memory_space<vmem_shared>>) offsets(%arg11 : memref<128xi32, #tpu.memory_space<vmem>>) semaphore(%run_scoped3A : memref<!tpu.dma_semaphore, #tpu.memory_space<semaphore_mem>>) {add = true}
        %dma_wait3A_235 = arith.constant 0 : i32
        %dma_wait3A_236 = arith.constant 0 : i32
        %dma_wait3A_237 = tpu.memref_slice %arg19[%dma_wait3A_235, %dma_wait3A_236] : memref<10240x128xf32, #tpu.memory_space<vmem_shared>> -> memref<10240x128xf32, #tpu.memory_space<vmem_shared>>
        tpu.wait_indirect_dma semaphore(%run_scoped3A : memref<!tpu.dma_semaphore, #tpu.memory_space<semaphore_mem>>) src(%arg15 : memref<128x128xf32, #tpu.memory_space<vmem>>) dst(%dma_wait3A_237 : memref<10240x128xf32, #tpu.memory_space<vmem_shared>>)
        tpu.yield
      }) : () -> ()
      "tpu.region"() ({
        %run_scoped3A = tpu.sem_alloc : memref<!tpu.dma_semaphore, #tpu.memory_space<semaphore_mem>>
        %dma_start3A_232 = arith.constant 0 : i32
        %dma_start3A_233 = tpu.memref_slice %arg20[%dma_start3A_232] : memref<10240xf32, #tpu.memory_space<vmem_shared>> -> memref<10240xf32, #tpu.memory_space<vmem_shared>>
        tpu.enqueue_indirect_dma source(%arg17 : memref<128xf32, #tpu.memory_space<vmem>>) target(%dma_start3A_233 : memref<10240xf32, #tpu.memory_space<vmem_shared>>) offsets(%arg11 : memref<128xi32, #tpu.memory_space<vmem>>) semaphore(%run_scoped3A : memref<!tpu.dma_semaphore, #tpu.memory_space<semaphore_mem>>) {add = true}
        %dma_wait3A_234 = arith.constant 0 : i32
        %dma_wait3A_235 = tpu.memref_slice %arg20[%dma_wait3A_234] : memref<10240xf32, #tpu.memory_space<vmem_shared>> -> memref<10240xf32, #tpu.memory_space<vmem_shared>>
        tpu.wait_indirect_dma semaphore(%run_scoped3A : memref<!tpu.dma_semaphore, #tpu.memory_space<semaphore_mem>>) src(%arg17 : memref<128xf32, #tpu.memory_space<vmem>>) dst(%dma_wait3A_235 : memref<10240xf32, #tpu.memory_space<vmem_shared>>)
        tpu.yield
      }) : () -> ()
      %mul3A_143 = arith.constant 80 : i32
      %mul3A_144 = arith.muli %add3A, %mul3A_143 : i32
      %add3A_145 = arith.addi %mul3A_144, %add3A_128 : i32
      %mul3A_146 = arith.constant 128 : i32
      %mul3A_147 = arith.muli %add3A_145, %mul3A_146 : i32
      %multiple_of3A_148 = tpu.assume_multiple %mul3A_147, 128 : i32
      %dma_start3A_149 = tpu.memref_slice %arg3[%multiple_of3A_148] : memref<328192xi32, #tpu.memory_space<hbm>> -> memref<128xi32, #tpu.memory_space<hbm>>
      %dma_start3A_150 = tpu.memref_slice %arg3[%multiple_of3A_148] : memref<328192xi32, #tpu.memory_space<hbm>> -> memref<128xi32, #tpu.memory_space<hbm>>
      tpu.enqueue_dma source(%dma_start3A_150 : memref<128xi32, #tpu.memory_space<hbm>>) target(%arg7 : memref<128xi32, #tpu.memory_space<vmem>>) target_semaphore(%arg23 : memref<!tpu.dma_semaphore, #tpu.memory_space<semaphore_mem>>)
      %dma_start3A_151 = tpu.memref_slice %arg4[%multiple_of3A_148] : memref<328192xi32, #tpu.memory_space<hbm>> -> memref<128xi32, #tpu.memory_space<hbm>>
      %dma_start3A_152 = tpu.memref_slice %arg4[%multiple_of3A_148] : memref<328192xi32, #tpu.memory_space<hbm>> -> memref<128xi32, #tpu.memory_space<hbm>>
      tpu.enqueue_dma source(%dma_start3A_152 : memref<128xi32, #tpu.memory_space<hbm>>) target(%arg11 : memref<128xi32, #tpu.memory_space<vmem>>) target_semaphore(%arg23 : memref<!tpu.dma_semaphore, #tpu.memory_space<semaphore_mem>>)
      %dma_wait3A_153 = arith.constant 0 : i32
      %dma_wait3A_154 = tpu.memref_slice %arg3[%dma_wait3A_153] : memref<328192xi32, #tpu.memory_space<hbm>> -> memref<128xi32, #tpu.memory_space<hbm>>
      %dma_wait3A_155 = arith.constant 0 : i32
      %dma_wait3A_156 = tpu.memref_slice %arg3[%dma_wait3A_155] : memref<328192xi32, #tpu.memory_space<hbm>> -> memref<128xi32, #tpu.memory_space<hbm>>
      tpu.wait_dma2 semaphore(%arg25 : memref<!tpu.dma_semaphore, #tpu.memory_space<semaphore_mem>>) src(%dma_wait3A_156 : memref<128xi32, #tpu.memory_space<hbm>>) dst(%arg9 : memref<128xi32, #tpu.memory_space<vmem>>)
      %dma_wait3A_157 = arith.constant 0 : i32
      %dma_wait3A_158 = tpu.memref_slice %arg4[%dma_wait3A_157] : memref<328192xi32, #tpu.memory_space<hbm>> -> memref<128xi32, #tpu.memory_space<hbm>>
      %dma_wait3A_159 = arith.constant 0 : i32
      %dma_wait3A_160 = tpu.memref_slice %arg4[%dma_wait3A_159] : memref<328192xi32, #tpu.memory_space<hbm>> -> memref<128xi32, #tpu.memory_space<hbm>>
      tpu.wait_dma2 semaphore(%arg25 : memref<!tpu.dma_semaphore, #tpu.memory_space<semaphore_mem>>) src(%dma_wait3A_160 : memref<128xi32, #tpu.memory_space<hbm>>) dst(%arg13 : memref<128xi32, #tpu.memory_space<vmem>>)
      %dma_start3A_161 = arith.constant 0 : i32
      %dma_start3A_162 = arith.constant 0 : i32
      %dma_start3A_163 = tpu.memref_slice %arg2[%dma_start3A_161, %dma_start3A_162] : memref<10000x128xf32, #tpu.memory_space<hbm>> -> memref<10000x128xf32, #tpu.memory_space<hbm>>
      tpu.enqueue_indirect_dma source(%dma_start3A_163 : memref<10000x128xf32, #tpu.memory_space<hbm>>) target(%arg15 : memref<128x128xf32, #tpu.memory_space<vmem>>) offsets(%arg9 : memref<128xi32, #tpu.memory_space<vmem>>) semaphore(%arg21 : memref<!tpu.dma_semaphore, #tpu.memory_space<semaphore_mem>>)
      %dma_wait3A_164 = arith.constant 0 : i32
      %dma_wait3A_165 = arith.constant 0 : i32
      %dma_wait3A_166 = tpu.memref_slice %arg2[%dma_wait3A_164, %dma_wait3A_165] : memref<10000x128xf32, #tpu.memory_space<hbm>> -> memref<10000x128xf32, #tpu.memory_space<hbm>>
      tpu.wait_indirect_dma semaphore(%arg22 : memref<!tpu.dma_semaphore, #tpu.memory_space<semaphore_mem>>) src(%dma_wait3A_166 : memref<10000x128xf32, #tpu.memory_space<hbm>>) dst(%arg16 : memref<128x128xf32, #tpu.memory_space<vmem>>)
      "tpu.region"() ({
        %run_scoped3A = tpu.sem_alloc : memref<!tpu.dma_semaphore, #tpu.memory_space<semaphore_mem>>
        %dma_start3A_232 = arith.constant 0 : i32
        %dma_start3A_233 = arith.constant 0 : i32
        %dma_start3A_234 = tpu.memref_slice %arg19[%dma_start3A_232, %dma_start3A_233] : memref<10240x128xf32, #tpu.memory_space<vmem_shared>> -> memref<10240x128xf32, #tpu.memory_space<vmem_shared>>
        tpu.enqueue_indirect_dma source(%arg16 : memref<128x128xf32, #tpu.memory_space<vmem>>) target(%dma_start3A_234 : memref<10240x128xf32, #tpu.memory_space<vmem_shared>>) offsets(%arg12 : memref<128xi32, #tpu.memory_space<vmem>>) semaphore(%run_scoped3A : memref<!tpu.dma_semaphore, #tpu.memory_space<semaphore_mem>>) {add = true}
        %dma_wait3A_235 = arith.constant 0 : i32
        %dma_wait3A_236 = arith.constant 0 : i32
        %dma_wait3A_237 = tpu.memref_slice %arg19[%dma_wait3A_235, %dma_wait3A_236] : memref<10240x128xf32, #tpu.memory_space<vmem_shared>> -> memref<10240x128xf32, #tpu.memory_space<vmem_shared>>
        tpu.wait_indirect_dma semaphore(%run_scoped3A : memref<!tpu.dma_semaphore, #tpu.memory_space<semaphore_mem>>) src(%arg16 : memref<128x128xf32, #tpu.memory_space<vmem>>) dst(%dma_wait3A_237 : memref<10240x128xf32, #tpu.memory_space<vmem_shared>>)
        tpu.yield
      }) : () -> ()
      "tpu.region"() ({
        %run_scoped3A = tpu.sem_alloc : memref<!tpu.dma_semaphore, #tpu.memory_space<semaphore_mem>>
        %dma_start3A_232 = arith.constant 0 : i32
        %dma_start3A_233 = tpu.memref_slice %arg20[%dma_start3A_232] : memref<10240xf32, #tpu.memory_space<vmem_shared>> -> memref<10240xf32, #tpu.memory_space<vmem_shared>>
        tpu.enqueue_indirect_dma source(%arg17 : memref<128xf32, #tpu.memory_space<vmem>>) target(%dma_start3A_233 : memref<10240xf32, #tpu.memory_space<vmem_shared>>) offsets(%arg12 : memref<128xi32, #tpu.memory_space<vmem>>) semaphore(%run_scoped3A : memref<!tpu.dma_semaphore, #tpu.memory_space<semaphore_mem>>) {add = true}
        %dma_wait3A_234 = arith.constant 0 : i32
        %dma_wait3A_235 = tpu.memref_slice %arg20[%dma_wait3A_234] : memref<10240xf32, #tpu.memory_space<vmem_shared>> -> memref<10240xf32, #tpu.memory_space<vmem_shared>>
        tpu.wait_indirect_dma semaphore(%run_scoped3A : memref<!tpu.dma_semaphore, #tpu.memory_space<semaphore_mem>>) src(%arg17 : memref<128xf32, #tpu.memory_space<vmem>>) dst(%dma_wait3A_235 : memref<10240xf32, #tpu.memory_space<vmem_shared>>)
        tpu.yield
      }) : () -> ()
      %add3A_167 = arith.constant 1 : i32
      %add3A_168 = arith.addi %add3A_128, %add3A_167 : i32
      %mul3A_169 = arith.constant 80 : i32
      %mul3A_170 = arith.muli %add3A, %mul3A_169 : i32
      %add3A_171 = arith.addi %mul3A_170, %add3A_168 : i32
      %mul3A_172 = arith.constant 128 : i32
      %mul3A_173 = arith.muli %add3A_171, %mul3A_172 : i32
      %multiple_of3A_174 = tpu.assume_multiple %mul3A_173, 128 : i32
      %dma_start3A_175 = tpu.memref_slice %arg3[%multiple_of3A_174] : memref<328192xi32, #tpu.memory_space<hbm>> -> memref<128xi32, #tpu.memory_space<hbm>>
      %dma_start3A_176 = tpu.memref_slice %arg3[%multiple_of3A_174] : memref<328192xi32, #tpu.memory_space<hbm>> -> memref<128xi32, #tpu.memory_space<hbm>>
      tpu.enqueue_dma source(%dma_start3A_176 : memref<128xi32, #tpu.memory_space<hbm>>) target(%arg8 : memref<128xi32, #tpu.memory_space<vmem>>) target_semaphore(%arg24 : memref<!tpu.dma_semaphore, #tpu.memory_space<semaphore_mem>>)
      %dma_start3A_177 = tpu.memref_slice %arg4[%multiple_of3A_174] : memref<328192xi32, #tpu.memory_space<hbm>> -> memref<128xi32, #tpu.memory_space<hbm>>
      %dma_start3A_178 = tpu.memref_slice %arg4[%multiple_of3A_174] : memref<328192xi32, #tpu.memory_space<hbm>> -> memref<128xi32, #tpu.memory_space<hbm>>
      tpu.enqueue_dma source(%dma_start3A_178 : memref<128xi32, #tpu.memory_space<hbm>>) target(%arg12 : memref<128xi32, #tpu.memory_space<vmem>>) target_semaphore(%arg24 : memref<!tpu.dma_semaphore, #tpu.memory_space<semaphore_mem>>)
      %dma_wait3A_179 = arith.constant 0 : i32
      %dma_wait3A_180 = tpu.memref_slice %arg3[%dma_wait3A_179] : memref<328192xi32, #tpu.memory_space<hbm>> -> memref<128xi32, #tpu.memory_space<hbm>>
      %dma_wait3A_181 = arith.constant 0 : i32
      %dma_wait3A_182 = tpu.memref_slice %arg3[%dma_wait3A_181] : memref<328192xi32, #tpu.memory_space<hbm>> -> memref<128xi32, #tpu.memory_space<hbm>>
      tpu.wait_dma2 semaphore(%arg26 : memref<!tpu.dma_semaphore, #tpu.memory_space<semaphore_mem>>) src(%dma_wait3A_182 : memref<128xi32, #tpu.memory_space<hbm>>) dst(%arg10 : memref<128xi32, #tpu.memory_space<vmem>>)
      %dma_wait3A_183 = arith.constant 0 : i32
      %dma_wait3A_184 = tpu.memref_slice %arg4[%dma_wait3A_183] : memref<328192xi32, #tpu.memory_space<hbm>> -> memref<128xi32, #tpu.memory_space<hbm>>
      %dma_wait3A_185 = arith.constant 0 : i32
      %dma_wait3A_186 = tpu.memref_slice %arg4[%dma_wait3A_185] : memref<328192xi32, #tpu.memory_space<hbm>> -> memref<128xi32, #tpu.memory_space<hbm>>
      tpu.wait_dma2 semaphore(%arg26 : memref<!tpu.dma_semaphore, #tpu.memory_space<semaphore_mem>>) src(%dma_wait3A_186 : memref<128xi32, #tpu.memory_space<hbm>>) dst(%arg14 : memref<128xi32, #tpu.memory_space<vmem>>)
      %dma_start3A_187 = arith.constant 0 : i32
      %dma_start3A_188 = arith.constant 0 : i32
      %dma_start3A_189 = tpu.memref_slice %arg2[%dma_start3A_187, %dma_start3A_188] : memref<10000x128xf32, #tpu.memory_space<hbm>> -> memref<10000x128xf32, #tpu.memory_space<hbm>>
      tpu.enqueue_indirect_dma source(%dma_start3A_189 : memref<10000x128xf32, #tpu.memory_space<hbm>>) target(%arg16 : memref<128x128xf32, #tpu.memory_space<vmem>>) offsets(%arg10 : memref<128xi32, #tpu.memory_space<vmem>>) semaphore(%arg22 : memref<!tpu.dma_semaphore, #tpu.memory_space<semaphore_mem>>)
      %dma_wait3A_190 = arith.constant 0 : i32
      %dma_wait3A_191 = arith.constant 0 : i32
      %dma_wait3A_192 = tpu.memref_slice %arg2[%dma_wait3A_190, %dma_wait3A_191] : memref<10000x128xf32, #tpu.memory_space<hbm>> -> memref<10000x128xf32, #tpu.memory_space<hbm>>
      tpu.wait_indirect_dma semaphore(%arg21 : memref<!tpu.dma_semaphore, #tpu.memory_space<semaphore_mem>>) src(%dma_wait3A_192 : memref<10000x128xf32, #tpu.memory_space<hbm>>) dst(%arg15 : memref<128x128xf32, #tpu.memory_space<vmem>>)
      "tpu.region"() ({
        %run_scoped3A = tpu.sem_alloc : memref<!tpu.dma_semaphore, #tpu.memory_space<semaphore_mem>>
        %dma_start3A_232 = arith.constant 0 : i32
        %dma_start3A_233 = arith.constant 0 : i32
        %dma_start3A_234 = tpu.memref_slice %arg19[%dma_start3A_232, %dma_start3A_233] : memref<10240x128xf32, #tpu.memory_space<vmem_shared>> -> memref<10240x128xf32, #tpu.memory_space<vmem_shared>>
        tpu.enqueue_indirect_dma source(%arg15 : memref<128x128xf32, #tpu.memory_space<vmem>>) target(%dma_start3A_234 : memref<10240x128xf32, #tpu.memory_space<vmem_shared>>) offsets(%arg13 : memref<128xi32, #tpu.memory_space<vmem>>) semaphore(%run_scoped3A : memref<!tpu.dma_semaphore, #tpu.memory_space<semaphore_mem>>) {add = true}
        %dma_wait3A_235 = arith.constant 0 : i32
        %dma_wait3A_236 = arith.constant 0 : i32
        %dma_wait3A_237 = tpu.memref_slice %arg19[%dma_wait3A_235, %dma_wait3A_236] : memref<10240x128xf32, #tpu.memory_space<vmem_shared>> -> memref<10240x128xf32, #tpu.memory_space<vmem_shared>>
        tpu.wait_indirect_dma semaphore(%run_scoped3A : memref<!tpu.dma_semaphore, #tpu.memory_space<semaphore_mem>>) src(%arg15 : memref<128x128xf32, #tpu.memory_space<vmem>>) dst(%dma_wait3A_237 : memref<10240x128xf32, #tpu.memory_space<vmem_shared>>)
        tpu.yield
      }) : () -> ()
      "tpu.region"() ({
        %run_scoped3A = tpu.sem_alloc : memref<!tpu.dma_semaphore, #tpu.memory_space<semaphore_mem>>
        %dma_start3A_232 = arith.constant 0 : i32
        %dma_start3A_233 = tpu.memref_slice %arg20[%dma_start3A_232] : memref<10240xf32, #tpu.memory_space<vmem_shared>> -> memref<10240xf32, #tpu.memory_space<vmem_shared>>
        tpu.enqueue_indirect_dma source(%arg17 : memref<128xf32, #tpu.memory_space<vmem>>) target(%dma_start3A_233 : memref<10240xf32, #tpu.memory_space<vmem_shared>>) offsets(%arg13 : memref<128xi32, #tpu.memory_space<vmem>>) semaphore(%run_scoped3A : memref<!tpu.dma_semaphore, #tpu.memory_space<semaphore_mem>>) {add = true}
        %dma_wait3A_234 = arith.constant 0 : i32
        %dma_wait3A_235 = tpu.memref_slice %arg20[%dma_wait3A_234] : memref<10240xf32, #tpu.memory_space<vmem_shared>> -> memref<10240xf32, #tpu.memory_space<vmem_shared>>
        tpu.wait_indirect_dma semaphore(%run_scoped3A : memref<!tpu.dma_semaphore, #tpu.memory_space<semaphore_mem>>) src(%arg17 : memref<128xf32, #tpu.memory_space<vmem>>) dst(%dma_wait3A_235 : memref<10240xf32, #tpu.memory_space<vmem_shared>>)
        tpu.yield
      }) : () -> ()
      %add3A_193 = arith.constant 2 : i32
      %add3A_194 = arith.addi %add3A_128, %add3A_193 : i32
      %mul3A_195 = arith.constant 80 : i32
      %mul3A_196 = arith.muli %add3A, %mul3A_195 : i32
      %add3A_197 = arith.addi %mul3A_196, %add3A_194 : i32
      %mul3A_198 = arith.constant 128 : i32
      %mul3A_199 = arith.muli %add3A_197, %mul3A_198 : i32
      %multiple_of3A_200 = tpu.assume_multiple %mul3A_199, 128 : i32
      %dma_start3A_201 = tpu.memref_slice %arg3[%multiple_of3A_200] : memref<328192xi32, #tpu.memory_space<hbm>> -> memref<128xi32, #tpu.memory_space<hbm>>
      %dma_start3A_202 = tpu.memref_slice %arg3[%multiple_of3A_200] : memref<328192xi32, #tpu.memory_space<hbm>> -> memref<128xi32, #tpu.memory_space<hbm>>
      tpu.enqueue_dma source(%dma_start3A_202 : memref<128xi32, #tpu.memory_space<hbm>>) target(%arg9 : memref<128xi32, #tpu.memory_space<vmem>>) target_semaphore(%arg25 : memref<!tpu.dma_semaphore, #tpu.memory_space<semaphore_mem>>)
      %dma_start3A_203 = tpu.memref_slice %arg4[%multiple_of3A_200] : memref<328192xi32, #tpu.memory_space<hbm>> -> memref<128xi32, #tpu.memory_space<hbm>>
      %dma_start3A_204 = tpu.memref_slice %arg4[%multiple_of3A_200] : memref<328192xi32, #tpu.memory_space<hbm>> -> memref<128xi32, #tpu.memory_space<hbm>>
      tpu.enqueue_dma source(%dma_start3A_204 : memref<128xi32, #tpu.memory_space<hbm>>) target(%arg13 : memref<128xi32, #tpu.memory_space<vmem>>) target_semaphore(%arg25 : memref<!tpu.dma_semaphore, #tpu.memory_space<semaphore_mem>>)
      %dma_wait3A_205 = arith.constant 0 : i32
      %dma_wait3A_206 = arith.constant 0 : i32
      %dma_wait3A_207 = tpu.memref_slice %arg2[%dma_wait3A_205, %dma_wait3A_206] : memref<10000x128xf32, #tpu.memory_space<hbm>> -> memref<10000x128xf32, #tpu.memory_space<hbm>>
      tpu.wait_indirect_dma semaphore(%arg22 : memref<!tpu.dma_semaphore, #tpu.memory_space<semaphore_mem>>) src(%dma_wait3A_207 : memref<10000x128xf32, #tpu.memory_space<hbm>>) dst(%arg16 : memref<128x128xf32, #tpu.memory_space<vmem>>)
      "tpu.region"() ({
        %run_scoped3A = tpu.sem_alloc : memref<!tpu.dma_semaphore, #tpu.memory_space<semaphore_mem>>
        %dma_start3A_232 = arith.constant 0 : i32
        %dma_start3A_233 = arith.constant 0 : i32
        %dma_start3A_234 = tpu.memref_slice %arg19[%dma_start3A_232, %dma_start3A_233] : memref<10240x128xf32, #tpu.memory_space<vmem_shared>> -> memref<10240x128xf32, #tpu.memory_space<vmem_shared>>
        tpu.enqueue_indirect_dma source(%arg16 : memref<128x128xf32, #tpu.memory_space<vmem>>) target(%dma_start3A_234 : memref<10240x128xf32, #tpu.memory_space<vmem_shared>>) offsets(%arg14 : memref<128xi32, #tpu.memory_space<vmem>>) semaphore(%run_scoped3A : memref<!tpu.dma_semaphore, #tpu.memory_space<semaphore_mem>>) {add = true}
        %dma_wait3A_235 = arith.constant 0 : i32
        %dma_wait3A_236 = arith.constant 0 : i32
        %dma_wait3A_237 = tpu.memref_slice %arg19[%dma_wait3A_235, %dma_wait3A_236] : memref<10240x128xf32, #tpu.memory_space<vmem_shared>> -> memref<10240x128xf32, #tpu.memory_space<vmem_shared>>
        tpu.wait_indirect_dma semaphore(%run_scoped3A : memref<!tpu.dma_semaphore, #tpu.memory_space<semaphore_mem>>) src(%arg16 : memref<128x128xf32, #tpu.memory_space<vmem>>) dst(%dma_wait3A_237 : memref<10240x128xf32, #tpu.memory_space<vmem_shared>>)
        tpu.yield
      }) : () -> ()
      "tpu.region"() ({
        %run_scoped3A = tpu.sem_alloc : memref<!tpu.dma_semaphore, #tpu.memory_space<semaphore_mem>>
        %dma_start3A_232 = arith.constant 0 : i32
        %dma_start3A_233 = tpu.memref_slice %arg20[%dma_start3A_232] : memref<10240xf32, #tpu.memory_space<vmem_shared>> -> memref<10240xf32, #tpu.memory_space<vmem_shared>>
        tpu.enqueue_indirect_dma source(%arg17 : memref<128xf32, #tpu.memory_space<vmem>>) target(%dma_start3A_233 : memref<10240xf32, #tpu.memory_space<vmem_shared>>) offsets(%arg14 : memref<128xi32, #tpu.memory_space<vmem>>) semaphore(%run_scoped3A : memref<!tpu.dma_semaphore, #tpu.memory_space<semaphore_mem>>) {add = true}
        %dma_wait3A_234 = arith.constant 0 : i32
        %dma_wait3A_235 = tpu.memref_slice %arg20[%dma_wait3A_234] : memref<10240xf32, #tpu.memory_space<vmem_shared>> -> memref<10240xf32, #tpu.memory_space<vmem_shared>>
        tpu.wait_indirect_dma semaphore(%run_scoped3A : memref<!tpu.dma_semaphore, #tpu.memory_space<semaphore_mem>>) src(%arg17 : memref<128xf32, #tpu.memory_space<vmem>>) dst(%dma_wait3A_235 : memref<10240xf32, #tpu.memory_space<vmem_shared>>)
        tpu.yield
      }) : () -> ()
      %add3A_208 = arith.constant 3 : i32
      %add3A_209 = arith.addi %add3A_128, %add3A_208 : i32
      %mul3A_210 = arith.constant 80 : i32
      %mul3A_211 = arith.muli %add3A, %mul3A_210 : i32
      %add3A_212 = arith.addi %mul3A_211, %add3A_209 : i32
      %mul3A_213 = arith.constant 128 : i32
      %mul3A_214 = arith.muli %add3A_212, %mul3A_213 : i32
      %multiple_of3A_215 = tpu.assume_multiple %mul3A_214, 128 : i32
      %dma_start3A_216 = tpu.memref_slice %arg3[%multiple_of3A_215] : memref<328192xi32, #tpu.memory_space<hbm>> -> memref<128xi32, #tpu.memory_space<hbm>>
      %dma_start3A_217 = tpu.memref_slice %arg3[%multiple_of3A_215] : memref<328192xi32, #tpu.memory_space<hbm>> -> memref<128xi32, #tpu.memory_space<hbm>>
      tpu.enqueue_dma source(%dma_start3A_217 : memref<128xi32, #tpu.memory_space<hbm>>) target(%arg10 : memref<128xi32, #tpu.memory_space<vmem>>) target_semaphore(%arg26 : memref<!tpu.dma_semaphore, #tpu.memory_space<semaphore_mem>>)
      %dma_start3A_218 = tpu.memref_slice %arg4[%multiple_of3A_215] : memref<328192xi32, #tpu.memory_space<hbm>> -> memref<128xi32, #tpu.memory_space<hbm>>
      %dma_start3A_219 = tpu.memref_slice %arg4[%multiple_of3A_215] : memref<328192xi32, #tpu.memory_space<hbm>> -> memref<128xi32, #tpu.memory_space<hbm>>
      tpu.enqueue_dma source(%dma_start3A_219 : memref<128xi32, #tpu.memory_space<hbm>>) target(%arg14 : memref<128xi32, #tpu.memory_space<vmem>>) target_semaphore(%arg26 : memref<!tpu.dma_semaphore, #tpu.memory_space<semaphore_mem>>)
      %dma_wait3A_220 = arith.constant 0 : i32
      %dma_wait3A_221 = tpu.memref_slice %arg3[%dma_wait3A_220] : memref<328192xi32, #tpu.memory_space<hbm>> -> memref<128xi32, #tpu.memory_space<hbm>>
      %dma_wait3A_222 = arith.constant 0 : i32
      %dma_wait3A_223 = tpu.memref_slice %arg3[%dma_wait3A_222] : memref<328192xi32, #tpu.memory_space<hbm>> -> memref<128xi32, #tpu.memory_space<hbm>>
      tpu.wait_dma2 semaphore(%arg23 : memref<!tpu.dma_semaphore, #tpu.memory_space<semaphore_mem>>) src(%dma_wait3A_223 : memref<128xi32, #tpu.memory_space<hbm>>) dst(%arg7 : memref<128xi32, #tpu.memory_space<vmem>>)
      %dma_wait3A_224 = arith.constant 0 : i32
      %dma_wait3A_225 = tpu.memref_slice %arg4[%dma_wait3A_224] : memref<328192xi32, #tpu.memory_space<hbm>> -> memref<128xi32, #tpu.memory_space<hbm>>
      %dma_wait3A_226 = arith.constant 0 : i32
      %dma_wait3A_227 = tpu.memref_slice %arg4[%dma_wait3A_226] : memref<328192xi32, #tpu.memory_space<hbm>> -> memref<128xi32, #tpu.memory_space<hbm>>
      tpu.wait_dma2 semaphore(%arg23 : memref<!tpu.dma_semaphore, #tpu.memory_space<semaphore_mem>>) src(%dma_wait3A_227 : memref<128xi32, #tpu.memory_space<hbm>>) dst(%arg11 : memref<128xi32, #tpu.memory_space<vmem>>)
      %dma_start3A_228 = arith.constant 0 : i32
      %dma_start3A_229 = arith.constant 0 : i32
      %dma_start3A_230 = tpu.memref_slice %arg2[%dma_start3A_228, %dma_start3A_229] : memref<10000x128xf32, #tpu.memory_space<hbm>> -> memref<10000x128xf32, #tpu.memory_space<hbm>>
      tpu.enqueue_indirect_dma source(%dma_start3A_230 : memref<10000x128xf32, #tpu.memory_space<hbm>>) target(%arg15 : memref<128x128xf32, #tpu.memory_space<vmem>>) offsets(%arg7 : memref<128xi32, #tpu.memory_space<vmem>>) semaphore(%arg21 : memref<!tpu.dma_semaphore, #tpu.memory_space<semaphore_mem>>)
      %scan3A_231 = arith.constant 0 : i32
      scf.yield %scan3A_231 : i32
    }
    %scan3A_91 = arith.constant 20 : i32
    %dma_wait3A_92 = arith.constant 0 : i32
    %dma_wait3A_93 = arith.constant 0 : i32
    %dma_wait3A_94 = tpu.memref_slice %arg2[%dma_wait3A_92, %dma_wait3A_93] : memref<10000x128xf32, #tpu.memory_space<hbm>> -> memref<10000x128xf32, #tpu.memory_space<hbm>>
    tpu.wait_indirect_dma semaphore(%arg21 : memref<!tpu.dma_semaphore, #tpu.memory_space<semaphore_mem>>) src(%dma_wait3A_94 : memref<10000x128xf32, #tpu.memory_space<hbm>>) dst(%arg15 : memref<128x128xf32, #tpu.memory_space<vmem>>)
    %dma_wait3A_95 = arith.constant 0 : i32
    %dma_wait3A_96 = tpu.memref_slice %arg3[%dma_wait3A_95] : memref<328192xi32, #tpu.memory_space<hbm>> -> memref<128xi32, #tpu.memory_space<hbm>>
    %dma_wait3A_97 = arith.constant 0 : i32
    %dma_wait3A_98 = tpu.memref_slice %arg3[%dma_wait3A_97] : memref<328192xi32, #tpu.memory_space<hbm>> -> memref<128xi32, #tpu.memory_space<hbm>>
    tpu.wait_dma2 semaphore(%arg24 : memref<!tpu.dma_semaphore, #tpu.memory_space<semaphore_mem>>) src(%dma_wait3A_98 : memref<128xi32, #tpu.memory_space<hbm>>) dst(%arg8 : memref<128xi32, #tpu.memory_space<vmem>>)
    %dma_wait3A_99 = arith.constant 0 : i32
    %dma_wait3A_100 = tpu.memref_slice %arg4[%dma_wait3A_99] : memref<328192xi32, #tpu.memory_space<hbm>> -> memref<128xi32, #tpu.memory_space<hbm>>
    %dma_wait3A_101 = arith.constant 0 : i32
    %dma_wait3A_102 = tpu.memref_slice %arg4[%dma_wait3A_101] : memref<328192xi32, #tpu.memory_space<hbm>> -> memref<128xi32, #tpu.memory_space<hbm>>
    tpu.wait_dma2 semaphore(%arg24 : memref<!tpu.dma_semaphore, #tpu.memory_space<semaphore_mem>>) src(%dma_wait3A_102 : memref<128xi32, #tpu.memory_space<hbm>>) dst(%arg12 : memref<128xi32, #tpu.memory_space<vmem>>)
    %dma_wait3A_103 = arith.constant 0 : i32
    %dma_wait3A_104 = tpu.memref_slice %arg3[%dma_wait3A_103] : memref<328192xi32, #tpu.memory_space<hbm>> -> memref<128xi32, #tpu.memory_space<hbm>>
    %dma_wait3A_105 = arith.constant 0 : i32
    %dma_wait3A_106 = tpu.memref_slice %arg3[%dma_wait3A_105] : memref<328192xi32, #tpu.memory_space<hbm>> -> memref<128xi32, #tpu.memory_space<hbm>>
    tpu.wait_dma2 semaphore(%arg25 : memref<!tpu.dma_semaphore, #tpu.memory_space<semaphore_mem>>) src(%dma_wait3A_106 : memref<128xi32, #tpu.memory_space<hbm>>) dst(%arg9 : memref<128xi32, #tpu.memory_space<vmem>>)
    %dma_wait3A_107 = arith.constant 0 : i32
    %dma_wait3A_108 = tpu.memref_slice %arg4[%dma_wait3A_107] : memref<328192xi32, #tpu.memory_space<hbm>> -> memref<128xi32, #tpu.memory_space<hbm>>
    %dma_wait3A_109 = arith.constant 0 : i32
    %dma_wait3A_110 = tpu.memref_slice %arg4[%dma_wait3A_109] : memref<328192xi32, #tpu.memory_space<hbm>> -> memref<128xi32, #tpu.memory_space<hbm>>
    tpu.wait_dma2 semaphore(%arg25 : memref<!tpu.dma_semaphore, #tpu.memory_space<semaphore_mem>>) src(%dma_wait3A_110 : memref<128xi32, #tpu.memory_space<hbm>>) dst(%arg13 : memref<128xi32, #tpu.memory_space<vmem>>)
    %dma_wait3A_111 = arith.constant 0 : i32
    %dma_wait3A_112 = tpu.memref_slice %arg3[%dma_wait3A_111] : memref<328192xi32, #tpu.memory_space<hbm>> -> memref<128xi32, #tpu.memory_space<hbm>>
    %dma_wait3A_113 = arith.constant 0 : i32
    %dma_wait3A_114 = tpu.memref_slice %arg3[%dma_wait3A_113] : memref<328192xi32, #tpu.memory_space<hbm>> -> memref<128xi32, #tpu.memory_space<hbm>>
    tpu.wait_dma2 semaphore(%arg26 : memref<!tpu.dma_semaphore, #tpu.memory_space<semaphore_mem>>) src(%dma_wait3A_114 : memref<128xi32, #tpu.memory_space<hbm>>) dst(%arg10 : memref<128xi32, #tpu.memory_space<vmem>>)
    %dma_wait3A_115 = arith.constant 0 : i32
    %dma_wait3A_116 = tpu.memref_slice %arg4[%dma_wait3A_115] : memref<328192xi32, #tpu.memory_space<hbm>> -> memref<128xi32, #tpu.memory_space<hbm>>
    %dma_wait3A_117 = arith.constant 0 : i32
    %dma_wait3A_118 = tpu.memref_slice %arg4[%dma_wait3A_117] : memref<328192xi32, #tpu.memory_space<hbm>> -> memref<128xi32, #tpu.memory_space<hbm>>
    tpu.wait_dma2 semaphore(%arg26 : memref<!tpu.dma_semaphore, #tpu.memory_space<semaphore_mem>>) src(%dma_wait3A_118 : memref<128xi32, #tpu.memory_space<hbm>>) dst(%arg14 : memref<128xi32, #tpu.memory_space<vmem>>)
    %barrier3A_119 = arith.constant 0 : index
    tpu.barrier barrier_id(%barrier3A_119)
    "tpu.region"() ({
      %run_scoped3A = tpu.sem_alloc : memref<!tpu.dma_semaphore, #tpu.memory_space<semaphore_mem>>
      %dma_start3A_123 = arith.constant 0 : i32
      %dma_start3A_124 = tpu.memref_slice %arg5[%arg0, %mul3A_22, %dma_start3A_123] : memref<2x10240x128xf32, #tpu.memory_space<hbm>> -> memref<1x640x128xf32, #tpu.memory_space<hbm>>
      %dma_start3A_125 = tpu.memref_squeeze %dma_start3A_124 : memref<1x640x128xf32, #tpu.memory_space<hbm>> -> memref<640x128xf32, #tpu.memory_space<hbm>>
      %dma_start3A_126 = arith.constant 0 : i32
      %dma_start3A_127 = tpu.memref_slice %arg19[%mul3A_22, %dma_start3A_126] : memref<10240x128xf32, #tpu.memory_space<vmem_shared>> -> memref<640x128xf32, #tpu.memory_space<vmem_shared>>
      tpu.enqueue_dma source(%dma_start3A_127 : memref<640x128xf32, #tpu.memory_space<vmem_shared>>) target(%dma_start3A_125 : memref<640x128xf32, #tpu.memory_space<hbm>>) target_semaphore(%run_scoped3A : memref<!tpu.dma_semaphore, #tpu.memory_space<semaphore_mem>>)
      %dma_wait3A_128 = arith.constant 0 : i32
      %dma_wait3A_129 = tpu.memref_slice %arg5[%arg0, %mul3A_22, %dma_wait3A_128] : memref<2x10240x128xf32, #tpu.memory_space<hbm>> -> memref<1x640x128xf32, #tpu.memory_space<hbm>>
      %dma_wait3A_130 = tpu.memref_squeeze %dma_wait3A_129 : memref<1x640x128xf32, #tpu.memory_space<hbm>> -> memref<640x128xf32, #tpu.memory_space<hbm>>
      %dma_wait3A_131 = arith.constant 0 : i32
      %dma_wait3A_132 = tpu.memref_slice %arg19[%mul3A_22, %dma_wait3A_131] : memref<10240x128xf32, #tpu.memory_space<vmem_shared>> -> memref<640x128xf32, #tpu.memory_space<vmem_shared>>
      tpu.wait_dma2 semaphore(%run_scoped3A : memref<!tpu.dma_semaphore, #tpu.memory_space<semaphore_mem>>) src(%dma_wait3A_132 : memref<640x128xf32, #tpu.memory_space<vmem_shared>>) dst(%dma_wait3A_130 : memref<640x128xf32, #tpu.memory_space<hbm>>)
      tpu.yield
    }) : () -> ()
    %mul3A_120 = arith.constant 10240 : i32
    %mul3A_121 = arith.muli %arg0, %mul3A_120 : i32
    %add3A_122 = arith.addi %mul3A_121, %mul3A_22 : i32
    "tpu.region"() ({
      %run_scoped3A = tpu.sem_alloc : memref<!tpu.dma_semaphore, #tpu.memory_space<semaphore_mem>>
      %dma_start3A_123 = tpu.memref_slice %arg6[%add3A_122] : memref<20480xf32, #tpu.memory_space<hbm>> -> memref<640xf32, #tpu.memory_space<hbm>>
      %dma_start3A_124 = tpu.memref_slice %arg20[%mul3A_22] : memref<10240xf32, #tpu.memory_space<vmem_shared>> -> memref<640xf32, #tpu.memory_space<vmem_shared>>
      tpu.enqueue_dma source(%dma_start3A_124 : memref<640xf32, #tpu.memory_space<vmem_shared>>) target(%dma_start3A_123 : memref<640xf32, #tpu.memory_space<hbm>>) target_semaphore(%run_scoped3A : memref<!tpu.dma_semaphore, #tpu.memory_space<semaphore_mem>>)
      %dma_wait3A_125 = tpu.memref_slice %arg6[%add3A_122] : memref<20480xf32, #tpu.memory_space<hbm>> -> memref<640xf32, #tpu.memory_space<hbm>>
      %dma_wait3A_126 = tpu.memref_slice %arg20[%mul3A_22] : memref<10240xf32, #tpu.memory_space<vmem_shared>> -> memref<640xf32, #tpu.memory_space<vmem_shared>>
      tpu.wait_dma2 semaphore(%run_scoped3A : memref<!tpu.dma_semaphore, #tpu.memory_space<semaphore_mem>>) src(%dma_wait3A_126 : memref<640xf32, #tpu.memory_space<vmem_shared>>) dst(%dma_wait3A_125 : memref<640xf32, #tpu.memory_space<hbm>>)
      tpu.yield
    }) : () -> ()
    return
  }
}

#map = affine_map<(d0, d1) -> (0, 0)>
#map1 = affine_map<(d0, d1) -> (0)>
#map2 = affine_map<(d0, d1) -> (0, 0, 0)>
module attributes {stable_mosaic.version = 14 : i64} {
  func.func @_seg_sum_body(%arg0: i32, %arg1: i32, %arg2: memref<10000x128xf32, #tpu.memory_space<hbm>>, %arg3: memref<328192xi32, #tpu.memory_space<hbm>>, %arg4: memref<328192xi32, #tpu.memory_space<hbm>>, %arg5: memref<2x10240x128xf32, #tpu.memory_space<hbm>>, %arg6: memref<128xi32, #tpu.memory_space<vmem>>, %arg7: memref<128xi32, #tpu.memory_space<vmem>>, %arg8: memref<128xi32, #tpu.memory_space<vmem>>, %arg9: memref<128xi32, #tpu.memory_space<vmem>>, %arg10: memref<128xi32, #tpu.memory_space<vmem>>, %arg11: memref<128xi32, #tpu.memory_space<vmem>>, %arg12: memref<128xi32, #tpu.memory_space<vmem>>, %arg13: memref<128xi32, #tpu.memory_space<vmem>>, %arg14: memref<128x128xf32, #tpu.memory_space<vmem>>, %arg15: memref<128x128xf32, #tpu.memory_space<vmem>>, %arg16: memref<10240x128xf32, #tpu.memory_space<vmem_shared>>, %arg17: memref<!tpu.dma_semaphore, #tpu.memory_space<semaphore_mem>>, %arg18: memref<!tpu.dma_semaphore, #tpu.memory_space<semaphore_mem>>, %arg19: memref<!tpu.dma_semaphore, #tpu.memory_space<semaphore_mem>>, %arg20: memref<!tpu.dma_semaphore, #tpu.memory_space<semaphore_mem>>, %arg21: memref<!tpu.dma_semaphore, #tpu.memory_space<semaphore_mem>>, %arg22: memref<!tpu.dma_semaphore, #tpu.memory_space<semaphore_mem>>) attributes {dimension_semantics = [#tpu.dimension_semantics<core_parallel>, #tpu.dimension_semantics<subcore_parallel>], iteration_bounds = array<i64: 2, 16>, scalar_prefetch = 0 : i64, scratch_operands = 17 : i64, tpu.core_type = #tpu.core_type<sc_vector_subcore>, window_params = [{transform_indices = #map}, {transform_indices = #map1}, {transform_indices = #map1}, {transform_indices = #map2}]} {
    %mul3A = arith.constant 2 : i32
    %mul3A_0 = arith.muli %arg1, %mul3A : i32
    %add3A = arith.addi %mul3A_0, %arg0 : i32
    %scan3A = arith.constant 0 : i32
    %scan3A_1 = arith.constant 0 : i32
    %scan3A_2 = arith.constant 1024 : i32
    %scan3A_3 = arith.addi %scan3A_1, %scan3A_2 : i32
    %scan3A_4 = arith.constant 1 : i32
    %scan3A_5 = scf.for %scan3A_106 = %scan3A_1 to %scan3A_3 step %scan3A_4 iter_args(%scan3A_107 = %scan3A) -> (i32)  : i32 {
      %jit3A = arith.constant 8 : i32
      %div3A = arith.divsi %scan3A_106, %jit3A : i32
      %sign3A = arith.constant 0 : i32
      %sign3A_108 = arith.cmpi sgt, %scan3A_106, %sign3A : i32
      %sign3A_109 = arith.extui %sign3A_108 : i1 to i32
      %sign3A_110 = arith.constant 0 : i32
      %sign3A_111 = arith.cmpi slt, %scan3A_106, %sign3A_110 : i32
      %sign3A_112 = arith.extui %sign3A_111 : i1 to i32
      %sign3A_113 = arith.subi %sign3A_109, %sign3A_112 : i32
      %sign3A_114 = arith.constant 0 : i32
      %sign3A_115 = arith.cmpi sgt, %jit3A, %sign3A_114 : i32
      %sign3A_116 = arith.extui %sign3A_115 : i1 to i32
      %sign3A_117 = arith.constant 0 : i32
      %sign3A_118 = arith.cmpi slt, %jit3A, %sign3A_117 : i32
      %sign3A_119 = arith.extui %sign3A_118 : i1 to i32
      %sign3A_120 = arith.subi %sign3A_116, %sign3A_119 : i32
      %ne3A = arith.cmpi ne, %sign3A_113, %sign3A_120 : i32
      %rem3A = arith.remsi %scan3A_106, %jit3A : i32
      %ne3A_121 = arith.constant 0 : i32
      %ne3A_122 = arith.cmpi ne, %rem3A, %ne3A_121 : i32
      %and3A = arith.andi %ne3A, %ne3A_122 : i1
      %sub3A = arith.constant 1 : i32
      %sub3A_123 = arith.subi %div3A, %sub3A : i32
      %select_n3A = arith.select %and3A, %sub3A_123, %div3A : i32
      %jit3A_124 = arith.constant 8 : i32
      %eq3A = arith.constant 0 : i32
      %eq3A_125 = arith.cmpi eq, %jit3A_124, %eq3A : i32
      %jit3A_126 = arith.constant 1 : i32
      %select_n3A_127 = arith.select %eq3A_125, %jit3A_126, %jit3A_124 : i32
      %rem3A_128 = arith.remsi %scan3A_106, %select_n3A_127 : i32
      %ne3A_129 = arith.constant 0 : i32
      %ne3A_130 = arith.cmpi ne, %rem3A_128, %ne3A_129 : i32
      %lt3A = arith.constant 0 : i32
      %lt3A_131 = arith.cmpi slt, %rem3A_128, %lt3A : i32
      %lt3A_132 = arith.constant 0 : i32
      %lt3A_133 = arith.cmpi slt, %select_n3A_127, %lt3A_132 : i32
      %ne3A_134 = arith.xori %lt3A_131, %lt3A_133 : i1
      %and3A_135 = arith.andi %ne3A_134, %ne3A_130 : i1
      %add3A_136 = arith.addi %rem3A_128, %select_n3A_127 : i32
      %select_n3A_137 = arith.select %and3A_135, %add3A_136, %rem3A_128 : i32
      %mul3A_138 = arith.constant 16 : i32
      %mul3A_139 = arith.muli %select_n3A_137, %mul3A_138 : i32
      %broadcast_in_dim3A = arith.constant 0.000000e+00 : f32
      %broadcast_in_dim3A_140 = vector.broadcast %broadcast_in_dim3A : f32 to vector<16xf32>
      %swap3A = arith.index_cast %select_n3A : i32 to index
      %swap3A_141 = arith.index_cast %mul3A_139 : i32 to index
      %swap3A_142 = tpu.vector_load %arg14[%swap3A, %swap3A_141] {strides = array<i32>} : memref<128x128xf32, #tpu.memory_space<vmem>>, vector<1x16xf32>,
      %swap3A_143 = vector.shape_cast %swap3A_142 : vector<1x16xf32> to vector<16xf32>
      %swap3A_144 = vector.shape_cast %broadcast_in_dim3A_140 : vector<16xf32> to vector<1x16xf32>
      tpu.vector_store %arg14[%swap3A, %swap3A_141], %swap3A_144 {strides = array<i32>} : memref<128x128xf32, #tpu.memory_space<vmem>>, vector<1x16xf32>,
      %scan3A_145 = arith.constant 0 : i32
      scf.yield %scan3A_145 : i32
    }
    %scan3A_6 = arith.constant 1024 : i32
    %mul3A_7 = arith.constant 640 : i32
    %mul3A_8 = arith.muli %arg1, %mul3A_7 : i32
    %add3A_9 = arith.constant 0 : i32
    %add3A_10 = arith.addi %mul3A_8, %add3A_9 : i32
    "tpu.region"() ({
      %run_scoped3A = tpu.sem_alloc : memref<!tpu.dma_semaphore, #tpu.memory_space<semaphore_mem>>
      %dma_start3A_106 = arith.constant 0 : i32
      %dma_start3A_107 = tpu.memref_slice %arg16[%add3A_10, %dma_start3A_106] : memref<10240x128xf32, #tpu.memory_space<vmem_shared>> -> memref<128x128xf32, #tpu.memory_space<vmem_shared>>
      %dma_start3A_108 = arith.constant 0 : i32
      %dma_start3A_109 = tpu.memref_slice %arg16[%add3A_10, %dma_start3A_108] : memref<10240x128xf32, #tpu.memory_space<vmem_shared>> -> memref<128x128xf32, #tpu.memory_space<vmem_shared>>
      tpu.enqueue_dma source(%arg14 : memref<128x128xf32, #tpu.memory_space<vmem>>) target(%dma_start3A_109 : memref<128x128xf32, #tpu.memory_space<vmem_shared>>) target_semaphore(%run_scoped3A : memref<!tpu.dma_semaphore, #tpu.memory_space<semaphore_mem>>)
      %dma_wait3A_110 = arith.constant 0 : i32
      %dma_wait3A_111 = tpu.memref_slice %arg16[%add3A_10, %dma_wait3A_110] : memref<10240x128xf32, #tpu.memory_space<vmem_shared>> -> memref<128x128xf32, #tpu.memory_space<vmem_shared>>
      %dma_wait3A_112 = arith.constant 0 : i32
      %dma_wait3A_113 = tpu.memref_slice %arg16[%add3A_10, %dma_wait3A_112] : memref<10240x128xf32, #tpu.memory_space<vmem_shared>> -> memref<128x128xf32, #tpu.memory_space<vmem_shared>>
      tpu.wait_dma2 semaphore(%run_scoped3A : memref<!tpu.dma_semaphore, #tpu.memory_space<semaphore_mem>>) src(%arg14 : memref<128x128xf32, #tpu.memory_space<vmem>>) dst(%dma_wait3A_113 : memref<128x128xf32, #tpu.memory_space<vmem_shared>>)
      tpu.yield
    }) : () -> ()
    %add3A_11 = arith.constant 128 : i32
    %add3A_12 = arith.addi %mul3A_8, %add3A_11 : i32
    "tpu.region"() ({
      %run_scoped3A = tpu.sem_alloc : memref<!tpu.dma_semaphore, #tpu.memory_space<semaphore_mem>>
      %dma_start3A_106 = arith.constant 0 : i32
      %dma_start3A_107 = tpu.memref_slice %arg16[%add3A_12, %dma_start3A_106] : memref<10240x128xf32, #tpu.memory_space<vmem_shared>> -> memref<128x128xf32, #tpu.memory_space<vmem_shared>>
      %dma_start3A_108 = arith.constant 0 : i32
      %dma_start3A_109 = tpu.memref_slice %arg16[%add3A_12, %dma_start3A_108] : memref<10240x128xf32, #tpu.memory_space<vmem_shared>> -> memref<128x128xf32, #tpu.memory_space<vmem_shared>>
      tpu.enqueue_dma source(%arg14 : memref<128x128xf32, #tpu.memory_space<vmem>>) target(%dma_start3A_109 : memref<128x128xf32, #tpu.memory_space<vmem_shared>>) target_semaphore(%run_scoped3A : memref<!tpu.dma_semaphore, #tpu.memory_space<semaphore_mem>>)
      %dma_wait3A_110 = arith.constant 0 : i32
      %dma_wait3A_111 = tpu.memref_slice %arg16[%add3A_12, %dma_wait3A_110] : memref<10240x128xf32, #tpu.memory_space<vmem_shared>> -> memref<128x128xf32, #tpu.memory_space<vmem_shared>>
      %dma_wait3A_112 = arith.constant 0 : i32
      %dma_wait3A_113 = tpu.memref_slice %arg16[%add3A_12, %dma_wait3A_112] : memref<10240x128xf32, #tpu.memory_space<vmem_shared>> -> memref<128x128xf32, #tpu.memory_space<vmem_shared>>
      tpu.wait_dma2 semaphore(%run_scoped3A : memref<!tpu.dma_semaphore, #tpu.memory_space<semaphore_mem>>) src(%arg14 : memref<128x128xf32, #tpu.memory_space<vmem>>) dst(%dma_wait3A_113 : memref<128x128xf32, #tpu.memory_space<vmem_shared>>)
      tpu.yield
    }) : () -> ()
    %add3A_13 = arith.constant 256 : i32
    %add3A_14 = arith.addi %mul3A_8, %add3A_13 : i32
    "tpu.region"() ({
      %run_scoped3A = tpu.sem_alloc : memref<!tpu.dma_semaphore, #tpu.memory_space<semaphore_mem>>
      %dma_start3A_106 = arith.constant 0 : i32
      %dma_start3A_107 = tpu.memref_slice %arg16[%add3A_14, %dma_start3A_106] : memref<10240x128xf32, #tpu.memory_space<vmem_shared>> -> memref<128x128xf32, #tpu.memory_space<vmem_shared>>
      %dma_start3A_108 = arith.constant 0 : i32
      %dma_start3A_109 = tpu.memref_slice %arg16[%add3A_14, %dma_start3A_108] : memref<10240x128xf32, #tpu.memory_space<vmem_shared>> -> memref<128x128xf32, #tpu.memory_space<vmem_shared>>
      tpu.enqueue_dma source(%arg14 : memref<128x128xf32, #tpu.memory_space<vmem>>) target(%dma_start3A_109 : memref<128x128xf32, #tpu.memory_space<vmem_shared>>) target_semaphore(%run_scoped3A : memref<!tpu.dma_semaphore, #tpu.memory_space<semaphore_mem>>)
      %dma_wait3A_110 = arith.constant 0 : i32
      %dma_wait3A_111 = tpu.memref_slice %arg16[%add3A_14, %dma_wait3A_110] : memref<10240x128xf32, #tpu.memory_space<vmem_shared>> -> memref<128x128xf32, #tpu.memory_space<vmem_shared>>
      %dma_wait3A_112 = arith.constant 0 : i32
      %dma_wait3A_113 = tpu.memref_slice %arg16[%add3A_14, %dma_wait3A_112] : memref<10240x128xf32, #tpu.memory_space<vmem_shared>> -> memref<128x128xf32, #tpu.memory_space<vmem_shared>>
      tpu.wait_dma2 semaphore(%run_scoped3A : memref<!tpu.dma_semaphore, #tpu.memory_space<semaphore_mem>>) src(%arg14 : memref<128x128xf32, #tpu.memory_space<vmem>>) dst(%dma_wait3A_113 : memref<128x128xf32, #tpu.memory_space<vmem_shared>>)
      tpu.yield
    }) : () -> ()
    %add3A_15 = arith.constant 384 : i32
    %add3A_16 = arith.addi %mul3A_8, %add3A_15 : i32
    "tpu.region"() ({
      %run_scoped3A = tpu.sem_alloc : memref<!tpu.dma_semaphore, #tpu.memory_space<semaphore_mem>>
      %dma_start3A_106 = arith.constant 0 : i32
      %dma_start3A_107 = tpu.memref_slice %arg16[%add3A_16, %dma_start3A_106] : memref<10240x128xf32, #tpu.memory_space<vmem_shared>> -> memref<128x128xf32, #tpu.memory_space<vmem_shared>>
      %dma_start3A_108 = arith.constant 0 : i32
      %dma_start3A_109 = tpu.memref_slice %arg16[%add3A_16, %dma_start3A_108] : memref<10240x128xf32, #tpu.memory_space<vmem_shared>> -> memref<128x128xf32, #tpu.memory_space<vmem_shared>>
      tpu.enqueue_dma source(%arg14 : memref<128x128xf32, #tpu.memory_space<vmem>>) target(%dma_start3A_109 : memref<128x128xf32, #tpu.memory_space<vmem_shared>>) target_semaphore(%run_scoped3A : memref<!tpu.dma_semaphore, #tpu.memory_space<semaphore_mem>>)
      %dma_wait3A_110 = arith.constant 0 : i32
      %dma_wait3A_111 = tpu.memref_slice %arg16[%add3A_16, %dma_wait3A_110] : memref<10240x128xf32, #tpu.memory_space<vmem_shared>> -> memref<128x128xf32, #tpu.memory_space<vmem_shared>>
      %dma_wait3A_112 = arith.constant 0 : i32
      %dma_wait3A_113 = tpu.memref_slice %arg16[%add3A_16, %dma_wait3A_112] : memref<10240x128xf32, #tpu.memory_space<vmem_shared>> -> memref<128x128xf32, #tpu.memory_space<vmem_shared>>
      tpu.wait_dma2 semaphore(%run_scoped3A : memref<!tpu.dma_semaphore, #tpu.memory_space<semaphore_mem>>) src(%arg14 : memref<128x128xf32, #tpu.memory_space<vmem>>) dst(%dma_wait3A_113 : memref<128x128xf32, #tpu.memory_space<vmem_shared>>)
      tpu.yield
    }) : () -> ()
    %add3A_17 = arith.constant 512 : i32
    %add3A_18 = arith.addi %mul3A_8, %add3A_17 : i32
    "tpu.region"() ({
      %run_scoped3A = tpu.sem_alloc : memref<!tpu.dma_semaphore, #tpu.memory_space<semaphore_mem>>
      %dma_start3A_106 = arith.constant 0 : i32
      %dma_start3A_107 = tpu.memref_slice %arg16[%add3A_18, %dma_start3A_106] : memref<10240x128xf32, #tpu.memory_space<vmem_shared>> -> memref<128x128xf32, #tpu.memory_space<vmem_shared>>
      %dma_start3A_108 = arith.constant 0 : i32
      %dma_start3A_109 = tpu.memref_slice %arg16[%add3A_18, %dma_start3A_108] : memref<10240x128xf32, #tpu.memory_space<vmem_shared>> -> memref<128x128xf32, #tpu.memory_space<vmem_shared>>
      tpu.enqueue_dma source(%arg14 : memref<128x128xf32, #tpu.memory_space<vmem>>) target(%dma_start3A_109 : memref<128x128xf32, #tpu.memory_space<vmem_shared>>) target_semaphore(%run_scoped3A : memref<!tpu.dma_semaphore, #tpu.memory_space<semaphore_mem>>)
      %dma_wait3A_110 = arith.constant 0 : i32
      %dma_wait3A_111 = tpu.memref_slice %arg16[%add3A_18, %dma_wait3A_110] : memref<10240x128xf32, #tpu.memory_space<vmem_shared>> -> memref<128x128xf32, #tpu.memory_space<vmem_shared>>
      %dma_wait3A_112 = arith.constant 0 : i32
      %dma_wait3A_113 = tpu.memref_slice %arg16[%add3A_18, %dma_wait3A_112] : memref<10240x128xf32, #tpu.memory_space<vmem_shared>> -> memref<128x128xf32, #tpu.memory_space<vmem_shared>>
      tpu.wait_dma2 semaphore(%run_scoped3A : memref<!tpu.dma_semaphore, #tpu.memory_space<semaphore_mem>>) src(%arg14 : memref<128x128xf32, #tpu.memory_space<vmem>>) dst(%dma_wait3A_113 : memref<128x128xf32, #tpu.memory_space<vmem_shared>>)
      tpu.yield
    }) : () -> ()
    %barrier3A = arith.constant 0 : index
    tpu.barrier barrier_id(%barrier3A)
    %mul3A_19 = arith.constant 80 : i32
    %mul3A_20 = arith.muli %add3A, %mul3A_19 : i32
    %add3A_21 = arith.constant 0 : i32
    %add3A_22 = arith.addi %mul3A_20, %add3A_21 : i32
    %mul3A_23 = arith.constant 128 : i32
    %mul3A_24 = arith.muli %add3A_22, %mul3A_23 : i32
    %multiple_of3A = tpu.assume_multiple %mul3A_24, 128 : i32
    %dma_start3A = tpu.memref_slice %arg3[%multiple_of3A] : memref<328192xi32, #tpu.memory_space<hbm>> -> memref<128xi32, #tpu.memory_space<hbm>>
    %dma_start3A_25 = tpu.memref_slice %arg3[%multiple_of3A] : memref<328192xi32, #tpu.memory_space<hbm>> -> memref<128xi32, #tpu.memory_space<hbm>>
    tpu.enqueue_dma source(%dma_start3A_25 : memref<128xi32, #tpu.memory_space<hbm>>) target(%arg6 : memref<128xi32, #tpu.memory_space<vmem>>) target_semaphore(%arg19 : memref<!tpu.dma_semaphore, #tpu.memory_space<semaphore_mem>>)
    %dma_start3A_26 = tpu.memref_slice %arg4[%multiple_of3A] : memref<328192xi32, #tpu.memory_space<hbm>> -> memref<128xi32, #tpu.memory_space<hbm>>
    %dma_start3A_27 = tpu.memref_slice %arg4[%multiple_of3A] : memref<328192xi32, #tpu.memory_space<hbm>> -> memref<128xi32, #tpu.memory_space<hbm>>
    tpu.enqueue_dma source(%dma_start3A_27 : memref<128xi32, #tpu.memory_space<hbm>>) target(%arg10 : memref<128xi32, #tpu.memory_space<vmem>>) target_semaphore(%arg19 : memref<!tpu.dma_semaphore, #tpu.memory_space<semaphore_mem>>)
    %mul3A_28 = arith.constant 80 : i32
    %mul3A_29 = arith.muli %add3A, %mul3A_28 : i32
    %add3A_30 = arith.constant 1 : i32
    %add3A_31 = arith.addi %mul3A_29, %add3A_30 : i32
    %mul3A_32 = arith.constant 128 : i32
    %mul3A_33 = arith.muli %add3A_31, %mul3A_32 : i32
    %multiple_of3A_34 = tpu.assume_multiple %mul3A_33, 128 : i32
    %dma_start3A_35 = tpu.memref_slice %arg3[%multiple_of3A_34] : memref<328192xi32, #tpu.memory_space<hbm>> -> memref<128xi32, #tpu.memory_space<hbm>>
    %dma_start3A_36 = tpu.memref_slice %arg3[%multiple_of3A_34] : memref<328192xi32, #tpu.memory_space<hbm>> -> memref<128xi32, #tpu.memory_space<hbm>>
    tpu.enqueue_dma source(%dma_start3A_36 : memref<128xi32, #tpu.memory_space<hbm>>) target(%arg7 : memref<128xi32, #tpu.memory_space<vmem>>) target_semaphore(%arg20 : memref<!tpu.dma_semaphore, #tpu.memory_space<semaphore_mem>>)
    %dma_start3A_37 = tpu.memref_slice %arg4[%multiple_of3A_34] : memref<328192xi32, #tpu.memory_space<hbm>> -> memref<128xi32, #tpu.memory_space<hbm>>
    %dma_start3A_38 = tpu.memref_slice %arg4[%multiple_of3A_34] : memref<328192xi32, #tpu.memory_space<hbm>> -> memref<128xi32, #tpu.memory_space<hbm>>
    tpu.enqueue_dma source(%dma_start3A_38 : memref<128xi32, #tpu.memory_space<hbm>>) target(%arg11 : memref<128xi32, #tpu.memory_space<vmem>>) target_semaphore(%arg20 : memref<!tpu.dma_semaphore, #tpu.memory_space<semaphore_mem>>)
    %mul3A_39 = arith.constant 80 : i32
    %mul3A_40 = arith.muli %add3A, %mul3A_39 : i32
    %add3A_41 = arith.constant 2 : i32
    %add3A_42 = arith.addi %mul3A_40, %add3A_41 : i32
    %mul3A_43 = arith.constant 128 : i32
    %mul3A_44 = arith.muli %add3A_42, %mul3A_43 : i32
    %multiple_of3A_45 = tpu.assume_multiple %mul3A_44, 128 : i32
    %dma_start3A_46 = tpu.memref_slice %arg3[%multiple_of3A_45] : memref<328192xi32, #tpu.memory_space<hbm>> -> memref<128xi32, #tpu.memory_space<hbm>>
    %dma_start3A_47 = tpu.memref_slice %arg3[%multiple_of3A_45] : memref<328192xi32, #tpu.memory_space<hbm>> -> memref<128xi32, #tpu.memory_space<hbm>>
    tpu.enqueue_dma source(%dma_start3A_47 : memref<128xi32, #tpu.memory_space<hbm>>) target(%arg8 : memref<128xi32, #tpu.memory_space<vmem>>) target_semaphore(%arg21 : memref<!tpu.dma_semaphore, #tpu.memory_space<semaphore_mem>>)
    %dma_start3A_48 = tpu.memref_slice %arg4[%multiple_of3A_45] : memref<328192xi32, #tpu.memory_space<hbm>> -> memref<128xi32, #tpu.memory_space<hbm>>
    %dma_start3A_49 = tpu.memref_slice %arg4[%multiple_of3A_45] : memref<328192xi32, #tpu.memory_space<hbm>> -> memref<128xi32, #tpu.memory_space<hbm>>
    tpu.enqueue_dma source(%dma_start3A_49 : memref<128xi32, #tpu.memory_space<hbm>>) target(%arg12 : memref<128xi32, #tpu.memory_space<vmem>>) target_semaphore(%arg21 : memref<!tpu.dma_semaphore, #tpu.memory_space<semaphore_mem>>)
    %mul3A_50 = arith.constant 80 : i32
    %mul3A_51 = arith.muli %add3A, %mul3A_50 : i32
    %add3A_52 = arith.constant 3 : i32
    %add3A_53 = arith.addi %mul3A_51, %add3A_52 : i32
    %mul3A_54 = arith.constant 128 : i32
    %mul3A_55 = arith.muli %add3A_53, %mul3A_54 : i32
    %multiple_of3A_56 = tpu.assume_multiple %mul3A_55, 128 : i32
    %dma_start3A_57 = tpu.memref_slice %arg3[%multiple_of3A_56] : memref<328192xi32, #tpu.memory_space<hbm>> -> memref<128xi32, #tpu.memory_space<hbm>>
    %dma_start3A_58 = tpu.memref_slice %arg3[%multiple_of3A_56] : memref<328192xi32, #tpu.memory_space<hbm>> -> memref<128xi32, #tpu.memory_space<hbm>>
    tpu.enqueue_dma source(%dma_start3A_58 : memref<128xi32, #tpu.memory_space<hbm>>) target(%arg9 : memref<128xi32, #tpu.memory_space<vmem>>) target_semaphore(%arg22 : memref<!tpu.dma_semaphore, #tpu.memory_space<semaphore_mem>>)
    %dma_start3A_59 = tpu.memref_slice %arg4[%multiple_of3A_56] : memref<328192xi32, #tpu.memory_space<hbm>> -> memref<128xi32, #tpu.memory_space<hbm>>
    %dma_start3A_60 = tpu.memref_slice %arg4[%multiple_of3A_56] : memref<328192xi32, #tpu.memory_space<hbm>> -> memref<128xi32, #tpu.memory_space<hbm>>
    tpu.enqueue_dma source(%dma_start3A_60 : memref<128xi32, #tpu.memory_space<hbm>>) target(%arg13 : memref<128xi32, #tpu.memory_space<vmem>>) target_semaphore(%arg22 : memref<!tpu.dma_semaphore, #tpu.memory_space<semaphore_mem>>)
    %dma_wait3A = arith.constant 0 : i32
    %dma_wait3A_61 = tpu.memref_slice %arg3[%dma_wait3A] : memref<328192xi32, #tpu.memory_space<hbm>> -> memref<128xi32, #tpu.memory_space<hbm>>
    %dma_wait3A_62 = arith.constant 0 : i32
    %dma_wait3A_63 = tpu.memref_slice %arg3[%dma_wait3A_62] : memref<328192xi32, #tpu.memory_space<hbm>> -> memref<128xi32, #tpu.memory_space<hbm>>
    tpu.wait_dma2 semaphore(%arg19 : memref<!tpu.dma_semaphore, #tpu.memory_space<semaphore_mem>>) src(%dma_wait3A_63 : memref<128xi32, #tpu.memory_space<hbm>>) dst(%arg6 : memref<128xi32, #tpu.memory_space<vmem>>)
    %dma_wait3A_64 = arith.constant 0 : i32
    %dma_wait3A_65 = tpu.memref_slice %arg4[%dma_wait3A_64] : memref<328192xi32, #tpu.memory_space<hbm>> -> memref<128xi32, #tpu.memory_space<hbm>>
    %dma_wait3A_66 = arith.constant 0 : i32
    %dma_wait3A_67 = tpu.memref_slice %arg4[%dma_wait3A_66] : memref<328192xi32, #tpu.memory_space<hbm>> -> memref<128xi32, #tpu.memory_space<hbm>>
    tpu.wait_dma2 semaphore(%arg19 : memref<!tpu.dma_semaphore, #tpu.memory_space<semaphore_mem>>) src(%dma_wait3A_67 : memref<128xi32, #tpu.memory_space<hbm>>) dst(%arg10 : memref<128xi32, #tpu.memory_space<vmem>>)
    %dma_start3A_68 = arith.constant 0 : i32
    %dma_start3A_69 = arith.constant 0 : i32
    %dma_start3A_70 = tpu.memref_slice %arg2[%dma_start3A_68, %dma_start3A_69] : memref<10000x128xf32, #tpu.memory_space<hbm>> -> memref<10000x128xf32, #tpu.memory_space<hbm>>
    tpu.enqueue_indirect_dma source(%dma_start3A_70 : memref<10000x128xf32, #tpu.memory_space<hbm>>) target(%arg14 : memref<128x128xf32, #tpu.memory_space<vmem>>) offsets(%arg6 : memref<128xi32, #tpu.memory_space<vmem>>) semaphore(%arg17 : memref<!tpu.dma_semaphore, #tpu.memory_space<semaphore_mem>>)
    %scan3A_71 = arith.constant 0 : i32
    %scan3A_72 = arith.constant 0 : i32
    %scan3A_73 = arith.constant 20 : i32
    %scan3A_74 = arith.addi %scan3A_72, %scan3A_73 : i32
    %scan3A_75 = arith.constant 1 : i32
    %scan3A_76 = scf.for %scan3A_106 = %scan3A_72 to %scan3A_74 step %scan3A_75 iter_args(%scan3A_107 = %scan3A_71) -> (i32)  : i32 {
      %mul3A_108 = arith.constant 4 : i32
      %mul3A_109 = arith.muli %mul3A_108, %scan3A_106 : i32
      %add3A_110 = arith.constant 4 : i32
      %add3A_111 = arith.addi %mul3A_109, %add3A_110 : i32
      %dma_wait3A_112 = arith.constant 0 : i32
      %dma_wait3A_113 = tpu.memref_slice %arg3[%dma_wait3A_112] : memref<328192xi32, #tpu.memory_space<hbm>> -> memref<128xi32, #tpu.memory_space<hbm>>
      %dma_wait3A_114 = arith.constant 0 : i32
      %dma_wait3A_115 = tpu.memref_slice %arg3[%dma_wait3A_114] : memref<328192xi32, #tpu.memory_space<hbm>> -> memref<128xi32, #tpu.memory_space<hbm>>
      tpu.wait_dma2 semaphore(%arg20 : memref<!tpu.dma_semaphore, #tpu.memory_space<semaphore_mem>>) src(%dma_wait3A_115 : memref<128xi32, #tpu.memory_space<hbm>>) dst(%arg7 : memref<128xi32, #tpu.memory_space<vmem>>)
      %dma_wait3A_116 = arith.constant 0 : i32
      %dma_wait3A_117 = tpu.memref_slice %arg4[%dma_wait3A_116] : memref<328192xi32, #tpu.memory_space<hbm>> -> memref<128xi32, #tpu.memory_space<hbm>>
      %dma_wait3A_118 = arith.constant 0 : i32
      %dma_wait3A_119 = tpu.memref_slice %arg4[%dma_wait3A_118] : memref<328192xi32, #tpu.memory_space<hbm>> -> memref<128xi32, #tpu.memory_space<hbm>>
      tpu.wait_dma2 semaphore(%arg20 : memref<!tpu.dma_semaphore, #tpu.memory_space<semaphore_mem>>) src(%dma_wait3A_119 : memref<128xi32, #tpu.memory_space<hbm>>) dst(%arg11 : memref<128xi32, #tpu.memory_space<vmem>>)
      %dma_start3A_120 = arith.constant 0 : i32
      %dma_start3A_121 = arith.constant 0 : i32
      %dma_start3A_122 = tpu.memref_slice %arg2[%dma_start3A_120, %dma_start3A_121] : memref<10000x128xf32, #tpu.memory_space<hbm>> -> memref<10000x128xf32, #tpu.memory_space<hbm>>
      tpu.enqueue_indirect_dma source(%dma_start3A_122 : memref<10000x128xf32, #tpu.memory_space<hbm>>) target(%arg15 : memref<128x128xf32, #tpu.memory_space<vmem>>) offsets(%arg7 : memref<128xi32, #tpu.memory_space<vmem>>) semaphore(%arg18 : memref<!tpu.dma_semaphore, #tpu.memory_space<semaphore_mem>>)
      %dma_wait3A_123 = arith.constant 0 : i32
      %dma_wait3A_124 = arith.constant 0 : i32
      %dma_wait3A_125 = tpu.memref_slice %arg2[%dma_wait3A_123, %dma_wait3A_124] : memref<10000x128xf32, #tpu.memory_space<hbm>> -> memref<10000x128xf32, #tpu.memory_space<hbm>>
      tpu.wait_indirect_dma semaphore(%arg17 : memref<!tpu.dma_semaphore, #tpu.memory_space<semaphore_mem>>) src(%dma_wait3A_125 : memref<10000x128xf32, #tpu.memory_space<hbm>>) dst(%arg14 : memref<128x128xf32, #tpu.memory_space<vmem>>)
      "tpu.region"() ({
        %run_scoped3A = tpu.sem_alloc : memref<!tpu.dma_semaphore, #tpu.memory_space<semaphore_mem>>
        %dma_start3A_215 = arith.constant 0 : i32
        %dma_start3A_216 = arith.constant 0 : i32
        %dma_start3A_217 = tpu.memref_slice %arg16[%dma_start3A_215, %dma_start3A_216] : memref<10240x128xf32, #tpu.memory_space<vmem_shared>> -> memref<10240x128xf32, #tpu.memory_space<vmem_shared>>
        tpu.enqueue_indirect_dma source(%arg14 : memref<128x128xf32, #tpu.memory_space<vmem>>) target(%dma_start3A_217 : memref<10240x128xf32, #tpu.memory_space<vmem_shared>>) offsets(%arg10 : memref<128xi32, #tpu.memory_space<vmem>>) semaphore(%run_scoped3A : memref<!tpu.dma_semaphore, #tpu.memory_space<semaphore_mem>>) {add = true}
        %dma_wait3A_218 = arith.constant 0 : i32
        %dma_wait3A_219 = arith.constant 0 : i32
        %dma_wait3A_220 = tpu.memref_slice %arg16[%dma_wait3A_218, %dma_wait3A_219] : memref<10240x128xf32, #tpu.memory_space<vmem_shared>> -> memref<10240x128xf32, #tpu.memory_space<vmem_shared>>
        tpu.wait_indirect_dma semaphore(%run_scoped3A : memref<!tpu.dma_semaphore, #tpu.memory_space<semaphore_mem>>) src(%arg14 : memref<128x128xf32, #tpu.memory_space<vmem>>) dst(%dma_wait3A_220 : memref<10240x128xf32, #tpu.memory_space<vmem_shared>>)
        tpu.yield
      }) : () -> ()
      %mul3A_126 = arith.constant 80 : i32
      %mul3A_127 = arith.muli %add3A, %mul3A_126 : i32
      %add3A_128 = arith.addi %mul3A_127, %add3A_111 : i32
      %mul3A_129 = arith.constant 128 : i32
      %mul3A_130 = arith.muli %add3A_128, %mul3A_129 : i32
      %multiple_of3A_131 = tpu.assume_multiple %mul3A_130, 128 : i32
      %dma_start3A_132 = tpu.memref_slice %arg3[%multiple_of3A_131] : memref<328192xi32, #tpu.memory_space<hbm>> -> memref<128xi32, #tpu.memory_space<hbm>>
      %dma_start3A_133 = tpu.memref_slice %arg3[%multiple_of3A_131] : memref<328192xi32, #tpu.memory_space<hbm>> -> memref<128xi32, #tpu.memory_space<hbm>>
      tpu.enqueue_dma source(%dma_start3A_133 : memref<128xi32, #tpu.memory_space<hbm>>) target(%arg6 : memref<128xi32, #tpu.memory_space<vmem>>) target_semaphore(%arg19 : memref<!tpu.dma_semaphore, #tpu.memory_space<semaphore_mem>>)
      %dma_start3A_134 = tpu.memref_slice %arg4[%multiple_of3A_131] : memref<328192xi32, #tpu.memory_space<hbm>> -> memref<128xi32, #tpu.memory_space<hbm>>
      %dma_start3A_135 = tpu.memref_slice %arg4[%multiple_of3A_131] : memref<328192xi32, #tpu.memory_space<hbm>> -> memref<128xi32, #tpu.memory_space<hbm>>
      tpu.enqueue_dma source(%dma_start3A_135 : memref<128xi32, #tpu.memory_space<hbm>>) target(%arg10 : memref<128xi32, #tpu.memory_space<vmem>>) target_semaphore(%arg19 : memref<!tpu.dma_semaphore, #tpu.memory_space<semaphore_mem>>)
      %dma_wait3A_136 = arith.constant 0 : i32
      %dma_wait3A_137 = tpu.memref_slice %arg3[%dma_wait3A_136] : memref<328192xi32, #tpu.memory_space<hbm>> -> memref<128xi32, #tpu.memory_space<hbm>>
      %dma_wait3A_138 = arith.constant 0 : i32
      %dma_wait3A_139 = tpu.memref_slice %arg3[%dma_wait3A_138] : memref<328192xi32, #tpu.memory_space<hbm>> -> memref<128xi32, #tpu.memory_space<hbm>>
      tpu.wait_dma2 semaphore(%arg21 : memref<!tpu.dma_semaphore, #tpu.memory_space<semaphore_mem>>) src(%dma_wait3A_139 : memref<128xi32, #tpu.memory_space<hbm>>) dst(%arg8 : memref<128xi32, #tpu.memory_space<vmem>>)
      %dma_wait3A_140 = arith.constant 0 : i32
      %dma_wait3A_141 = tpu.memref_slice %arg4[%dma_wait3A_140] : memref<328192xi32, #tpu.memory_space<hbm>> -> memref<128xi32, #tpu.memory_space<hbm>>
      %dma_wait3A_142 = arith.constant 0 : i32
      %dma_wait3A_143 = tpu.memref_slice %arg4[%dma_wait3A_142] : memref<328192xi32, #tpu.memory_space<hbm>> -> memref<128xi32, #tpu.memory_space<hbm>>
      tpu.wait_dma2 semaphore(%arg21 : memref<!tpu.dma_semaphore, #tpu.memory_space<semaphore_mem>>) src(%dma_wait3A_143 : memref<128xi32, #tpu.memory_space<hbm>>) dst(%arg12 : memref<128xi32, #tpu.memory_space<vmem>>)
      %dma_start3A_144 = arith.constant 0 : i32
      %dma_start3A_145 = arith.constant 0 : i32
      %dma_start3A_146 = tpu.memref_slice %arg2[%dma_start3A_144, %dma_start3A_145] : memref<10000x128xf32, #tpu.memory_space<hbm>> -> memref<10000x128xf32, #tpu.memory_space<hbm>>
      tpu.enqueue_indirect_dma source(%dma_start3A_146 : memref<10000x128xf32, #tpu.memory_space<hbm>>) target(%arg14 : memref<128x128xf32, #tpu.memory_space<vmem>>) offsets(%arg8 : memref<128xi32, #tpu.memory_space<vmem>>) semaphore(%arg17 : memref<!tpu.dma_semaphore, #tpu.memory_space<semaphore_mem>>)
      %dma_wait3A_147 = arith.constant 0 : i32
      %dma_wait3A_148 = arith.constant 0 : i32
      %dma_wait3A_149 = tpu.memref_slice %arg2[%dma_wait3A_147, %dma_wait3A_148] : memref<10000x128xf32, #tpu.memory_space<hbm>> -> memref<10000x128xf32, #tpu.memory_space<hbm>>
      tpu.wait_indirect_dma semaphore(%arg18 : memref<!tpu.dma_semaphore, #tpu.memory_space<semaphore_mem>>) src(%dma_wait3A_149 : memref<10000x128xf32, #tpu.memory_space<hbm>>) dst(%arg15 : memref<128x128xf32, #tpu.memory_space<vmem>>)
      "tpu.region"() ({
        %run_scoped3A = tpu.sem_alloc : memref<!tpu.dma_semaphore, #tpu.memory_space<semaphore_mem>>
        %dma_start3A_215 = arith.constant 0 : i32
        %dma_start3A_216 = arith.constant 0 : i32
        %dma_start3A_217 = tpu.memref_slice %arg16[%dma_start3A_215, %dma_start3A_216] : memref<10240x128xf32, #tpu.memory_space<vmem_shared>> -> memref<10240x128xf32, #tpu.memory_space<vmem_shared>>
        tpu.enqueue_indirect_dma source(%arg15 : memref<128x128xf32, #tpu.memory_space<vmem>>) target(%dma_start3A_217 : memref<10240x128xf32, #tpu.memory_space<vmem_shared>>) offsets(%arg11 : memref<128xi32, #tpu.memory_space<vmem>>) semaphore(%run_scoped3A : memref<!tpu.dma_semaphore, #tpu.memory_space<semaphore_mem>>) {add = true}
        %dma_wait3A_218 = arith.constant 0 : i32
        %dma_wait3A_219 = arith.constant 0 : i32
        %dma_wait3A_220 = tpu.memref_slice %arg16[%dma_wait3A_218, %dma_wait3A_219] : memref<10240x128xf32, #tpu.memory_space<vmem_shared>> -> memref<10240x128xf32, #tpu.memory_space<vmem_shared>>
        tpu.wait_indirect_dma semaphore(%run_scoped3A : memref<!tpu.dma_semaphore, #tpu.memory_space<semaphore_mem>>) src(%arg15 : memref<128x128xf32, #tpu.memory_space<vmem>>) dst(%dma_wait3A_220 : memref<10240x128xf32, #tpu.memory_space<vmem_shared>>)
        tpu.yield
      }) : () -> ()
      %add3A_150 = arith.constant 1 : i32
      %add3A_151 = arith.addi %add3A_111, %add3A_150 : i32
      %mul3A_152 = arith.constant 80 : i32
      %mul3A_153 = arith.muli %add3A, %mul3A_152 : i32
      %add3A_154 = arith.addi %mul3A_153, %add3A_151 : i32
      %mul3A_155 = arith.constant 128 : i32
      %mul3A_156 = arith.muli %add3A_154, %mul3A_155 : i32
      %multiple_of3A_157 = tpu.assume_multiple %mul3A_156, 128 : i32
      %dma_start3A_158 = tpu.memref_slice %arg3[%multiple_of3A_157] : memref<328192xi32, #tpu.memory_space<hbm>> -> memref<128xi32, #tpu.memory_space<hbm>>
      %dma_start3A_159 = tpu.memref_slice %arg3[%multiple_of3A_157] : memref<328192xi32, #tpu.memory_space<hbm>> -> memref<128xi32, #tpu.memory_space<hbm>>
      tpu.enqueue_dma source(%dma_start3A_159 : memref<128xi32, #tpu.memory_space<hbm>>) target(%arg7 : memref<128xi32, #tpu.memory_space<vmem>>) target_semaphore(%arg20 : memref<!tpu.dma_semaphore, #tpu.memory_space<semaphore_mem>>)
      %dma_start3A_160 = tpu.memref_slice %arg4[%multiple_of3A_157] : memref<328192xi32, #tpu.memory_space<hbm>> -> memref<128xi32, #tpu.memory_space<hbm>>
      %dma_start3A_161 = tpu.memref_slice %arg4[%multiple_of3A_157] : memref<328192xi32, #tpu.memory_space<hbm>> -> memref<128xi32, #tpu.memory_space<hbm>>
      tpu.enqueue_dma source(%dma_start3A_161 : memref<128xi32, #tpu.memory_space<hbm>>) target(%arg11 : memref<128xi32, #tpu.memory_space<vmem>>) target_semaphore(%arg20 : memref<!tpu.dma_semaphore, #tpu.memory_space<semaphore_mem>>)
      %dma_wait3A_162 = arith.constant 0 : i32
      %dma_wait3A_163 = tpu.memref_slice %arg3[%dma_wait3A_162] : memref<328192xi32, #tpu.memory_space<hbm>> -> memref<128xi32, #tpu.memory_space<hbm>>
      %dma_wait3A_164 = arith.constant 0 : i32
      %dma_wait3A_165 = tpu.memref_slice %arg3[%dma_wait3A_164] : memref<328192xi32, #tpu.memory_space<hbm>> -> memref<128xi32, #tpu.memory_space<hbm>>
      tpu.wait_dma2 semaphore(%arg22 : memref<!tpu.dma_semaphore, #tpu.memory_space<semaphore_mem>>) src(%dma_wait3A_165 : memref<128xi32, #tpu.memory_space<hbm>>) dst(%arg9 : memref<128xi32, #tpu.memory_space<vmem>>)
      %dma_wait3A_166 = arith.constant 0 : i32
      %dma_wait3A_167 = tpu.memref_slice %arg4[%dma_wait3A_166] : memref<328192xi32, #tpu.memory_space<hbm>> -> memref<128xi32, #tpu.memory_space<hbm>>
      %dma_wait3A_168 = arith.constant 0 : i32
      %dma_wait3A_169 = tpu.memref_slice %arg4[%dma_wait3A_168] : memref<328192xi32, #tpu.memory_space<hbm>> -> memref<128xi32, #tpu.memory_space<hbm>>
      tpu.wait_dma2 semaphore(%arg22 : memref<!tpu.dma_semaphore, #tpu.memory_space<semaphore_mem>>) src(%dma_wait3A_169 : memref<128xi32, #tpu.memory_space<hbm>>) dst(%arg13 : memref<128xi32, #tpu.memory_space<vmem>>)
      %dma_start3A_170 = arith.constant 0 : i32
      %dma_start3A_171 = arith.constant 0 : i32
      %dma_start3A_172 = tpu.memref_slice %arg2[%dma_start3A_170, %dma_start3A_171] : memref<10000x128xf32, #tpu.memory_space<hbm>> -> memref<10000x128xf32, #tpu.memory_space<hbm>>
      tpu.enqueue_indirect_dma source(%dma_start3A_172 : memref<10000x128xf32, #tpu.memory_space<hbm>>) target(%arg15 : memref<128x128xf32, #tpu.memory_space<vmem>>) offsets(%arg9 : memref<128xi32, #tpu.memory_space<vmem>>) semaphore(%arg18 : memref<!tpu.dma_semaphore, #tpu.memory_space<semaphore_mem>>)
      %dma_wait3A_173 = arith.constant 0 : i32
      %dma_wait3A_174 = arith.constant 0 : i32
      %dma_wait3A_175 = tpu.memref_slice %arg2[%dma_wait3A_173, %dma_wait3A_174] : memref<10000x128xf32, #tpu.memory_space<hbm>> -> memref<10000x128xf32, #tpu.memory_space<hbm>>
      tpu.wait_indirect_dma semaphore(%arg17 : memref<!tpu.dma_semaphore, #tpu.memory_space<semaphore_mem>>) src(%dma_wait3A_175 : memref<10000x128xf32, #tpu.memory_space<hbm>>) dst(%arg14 : memref<128x128xf32, #tpu.memory_space<vmem>>)
      "tpu.region"() ({
        %run_scoped3A = tpu.sem_alloc : memref<!tpu.dma_semaphore, #tpu.memory_space<semaphore_mem>>
        %dma_start3A_215 = arith.constant 0 : i32
        %dma_start3A_216 = arith.constant 0 : i32
        %dma_start3A_217 = tpu.memref_slice %arg16[%dma_start3A_215, %dma_start3A_216] : memref<10240x128xf32, #tpu.memory_space<vmem_shared>> -> memref<10240x128xf32, #tpu.memory_space<vmem_shared>>
        tpu.enqueue_indirect_dma source(%arg14 : memref<128x128xf32, #tpu.memory_space<vmem>>) target(%dma_start3A_217 : memref<10240x128xf32, #tpu.memory_space<vmem_shared>>) offsets(%arg12 : memref<128xi32, #tpu.memory_space<vmem>>) semaphore(%run_scoped3A : memref<!tpu.dma_semaphore, #tpu.memory_space<semaphore_mem>>) {add = true}
        %dma_wait3A_218 = arith.constant 0 : i32
        %dma_wait3A_219 = arith.constant 0 : i32
        %dma_wait3A_220 = tpu.memref_slice %arg16[%dma_wait3A_218, %dma_wait3A_219] : memref<10240x128xf32, #tpu.memory_space<vmem_shared>> -> memref<10240x128xf32, #tpu.memory_space<vmem_shared>>
        tpu.wait_indirect_dma semaphore(%run_scoped3A : memref<!tpu.dma_semaphore, #tpu.memory_space<semaphore_mem>>) src(%arg14 : memref<128x128xf32, #tpu.memory_space<vmem>>) dst(%dma_wait3A_220 : memref<10240x128xf32, #tpu.memory_space<vmem_shared>>)
        tpu.yield
      }) : () -> ()
      %add3A_176 = arith.constant 2 : i32
      %add3A_177 = arith.addi %add3A_111, %add3A_176 : i32
      %mul3A_178 = arith.constant 80 : i32
      %mul3A_179 = arith.muli %add3A, %mul3A_178 : i32
      %add3A_180 = arith.addi %mul3A_179, %add3A_177 : i32
      %mul3A_181 = arith.constant 128 : i32
      %mul3A_182 = arith.muli %add3A_180, %mul3A_181 : i32
      %multiple_of3A_183 = tpu.assume_multiple %mul3A_182, 128 : i32
      %dma_start3A_184 = tpu.memref_slice %arg3[%multiple_of3A_183] : memref<328192xi32, #tpu.memory_space<hbm>> -> memref<128xi32, #tpu.memory_space<hbm>>
      %dma_start3A_185 = tpu.memref_slice %arg3[%multiple_of3A_183] : memref<328192xi32, #tpu.memory_space<hbm>> -> memref<128xi32, #tpu.memory_space<hbm>>
      tpu.enqueue_dma source(%dma_start3A_185 : memref<128xi32, #tpu.memory_space<hbm>>) target(%arg8 : memref<128xi32, #tpu.memory_space<vmem>>) target_semaphore(%arg21 : memref<!tpu.dma_semaphore, #tpu.memory_space<semaphore_mem>>)
      %dma_start3A_186 = tpu.memref_slice %arg4[%multiple_of3A_183] : memref<328192xi32, #tpu.memory_space<hbm>> -> memref<128xi32, #tpu.memory_space<hbm>>
      %dma_start3A_187 = tpu.memref_slice %arg4[%multiple_of3A_183] : memref<328192xi32, #tpu.memory_space<hbm>> -> memref<128xi32, #tpu.memory_space<hbm>>
      tpu.enqueue_dma source(%dma_start3A_187 : memref<128xi32, #tpu.memory_space<hbm>>) target(%arg12 : memref<128xi32, #tpu.memory_space<vmem>>) target_semaphore(%arg21 : memref<!tpu.dma_semaphore, #tpu.memory_space<semaphore_mem>>)
      %dma_wait3A_188 = arith.constant 0 : i32
      %dma_wait3A_189 = arith.constant 0 : i32
      %dma_wait3A_190 = tpu.memref_slice %arg2[%dma_wait3A_188, %dma_wait3A_189] : memref<10000x128xf32, #tpu.memory_space<hbm>> -> memref<10000x128xf32, #tpu.memory_space<hbm>>
      tpu.wait_indirect_dma semaphore(%arg18 : memref<!tpu.dma_semaphore, #tpu.memory_space<semaphore_mem>>) src(%dma_wait3A_190 : memref<10000x128xf32, #tpu.memory_space<hbm>>) dst(%arg15 : memref<128x128xf32, #tpu.memory_space<vmem>>)
      "tpu.region"() ({
        %run_scoped3A = tpu.sem_alloc : memref<!tpu.dma_semaphore, #tpu.memory_space<semaphore_mem>>
        %dma_start3A_215 = arith.constant 0 : i32
        %dma_start3A_216 = arith.constant 0 : i32
        %dma_start3A_217 = tpu.memref_slice %arg16[%dma_start3A_215, %dma_start3A_216] : memref<10240x128xf32, #tpu.memory_space<vmem_shared>> -> memref<10240x128xf32, #tpu.memory_space<vmem_shared>>
        tpu.enqueue_indirect_dma source(%arg15 : memref<128x128xf32, #tpu.memory_space<vmem>>) target(%dma_start3A_217 : memref<10240x128xf32, #tpu.memory_space<vmem_shared>>) offsets(%arg13 : memref<128xi32, #tpu.memory_space<vmem>>) semaphore(%run_scoped3A : memref<!tpu.dma_semaphore, #tpu.memory_space<semaphore_mem>>) {add = true}
        %dma_wait3A_218 = arith.constant 0 : i32
        %dma_wait3A_219 = arith.constant 0 : i32
        %dma_wait3A_220 = tpu.memref_slice %arg16[%dma_wait3A_218, %dma_wait3A_219] : memref<10240x128xf32, #tpu.memory_space<vmem_shared>> -> memref<10240x128xf32, #tpu.memory_space<vmem_shared>>
        tpu.wait_indirect_dma semaphore(%run_scoped3A : memref<!tpu.dma_semaphore, #tpu.memory_space<semaphore_mem>>) src(%arg15 : memref<128x128xf32, #tpu.memory_space<vmem>>) dst(%dma_wait3A_220 : memref<10240x128xf32, #tpu.memory_space<vmem_shared>>)
        tpu.yield
      }) : () -> ()
      %add3A_191 = arith.constant 3 : i32
      %add3A_192 = arith.addi %add3A_111, %add3A_191 : i32
      %mul3A_193 = arith.constant 80 : i32
      %mul3A_194 = arith.muli %add3A, %mul3A_193 : i32
      %add3A_195 = arith.addi %mul3A_194, %add3A_192 : i32
      %mul3A_196 = arith.constant 128 : i32
      %mul3A_197 = arith.muli %add3A_195, %mul3A_196 : i32
      %multiple_of3A_198 = tpu.assume_multiple %mul3A_197, 128 : i32
      %dma_start3A_199 = tpu.memref_slice %arg3[%multiple_of3A_198] : memref<328192xi32, #tpu.memory_space<hbm>> -> memref<128xi32, #tpu.memory_space<hbm>>
      %dma_start3A_200 = tpu.memref_slice %arg3[%multiple_of3A_198] : memref<328192xi32, #tpu.memory_space<hbm>> -> memref<128xi32, #tpu.memory_space<hbm>>
      tpu.enqueue_dma source(%dma_start3A_200 : memref<128xi32, #tpu.memory_space<hbm>>) target(%arg9 : memref<128xi32, #tpu.memory_space<vmem>>) target_semaphore(%arg22 : memref<!tpu.dma_semaphore, #tpu.memory_space<semaphore_mem>>)
      %dma_start3A_201 = tpu.memref_slice %arg4[%multiple_of3A_198] : memref<328192xi32, #tpu.memory_space<hbm>> -> memref<128xi32, #tpu.memory_space<hbm>>
      %dma_start3A_202 = tpu.memref_slice %arg4[%multiple_of3A_198] : memref<328192xi32, #tpu.memory_space<hbm>> -> memref<128xi32, #tpu.memory_space<hbm>>
      tpu.enqueue_dma source(%dma_start3A_202 : memref<128xi32, #tpu.memory_space<hbm>>) target(%arg13 : memref<128xi32, #tpu.memory_space<vmem>>) target_semaphore(%arg22 : memref<!tpu.dma_semaphore, #tpu.memory_space<semaphore_mem>>)
      %dma_wait3A_203 = arith.constant 0 : i32
      %dma_wait3A_204 = tpu.memref_slice %arg3[%dma_wait3A_203] : memref<328192xi32, #tpu.memory_space<hbm>> -> memref<128xi32, #tpu.memory_space<hbm>>
      %dma_wait3A_205 = arith.constant 0 : i32
      %dma_wait3A_206 = tpu.memref_slice %arg3[%dma_wait3A_205] : memref<328192xi32, #tpu.memory_space<hbm>> -> memref<128xi32, #tpu.memory_space<hbm>>
      tpu.wait_dma2 semaphore(%arg19 : memref<!tpu.dma_semaphore, #tpu.memory_space<semaphore_mem>>) src(%dma_wait3A_206 : memref<128xi32, #tpu.memory_space<hbm>>) dst(%arg6 : memref<128xi32, #tpu.memory_space<vmem>>)
      %dma_wait3A_207 = arith.constant 0 : i32
      %dma_wait3A_208 = tpu.memref_slice %arg4[%dma_wait3A_207] : memref<328192xi32, #tpu.memory_space<hbm>> -> memref<128xi32, #tpu.memory_space<hbm>>
      %dma_wait3A_209 = arith.constant 0 : i32
      %dma_wait3A_210 = tpu.memref_slice %arg4[%dma_wait3A_209] : memref<328192xi32, #tpu.memory_space<hbm>> -> memref<128xi32, #tpu.memory_space<hbm>>
      tpu.wait_dma2 semaphore(%arg19 : memref<!tpu.dma_semaphore, #tpu.memory_space<semaphore_mem>>) src(%dma_wait3A_210 : memref<128xi32, #tpu.memory_space<hbm>>) dst(%arg10 : memref<128xi32, #tpu.memory_space<vmem>>)
      %dma_start3A_211 = arith.constant 0 : i32
      %dma_start3A_212 = arith.constant 0 : i32
      %dma_start3A_213 = tpu.memref_slice %arg2[%dma_start3A_211, %dma_start3A_212] : memref<10000x128xf32, #tpu.memory_space<hbm>> -> memref<10000x128xf32, #tpu.memory_space<hbm>>
      tpu.enqueue_indirect_dma source(%dma_start3A_213 : memref<10000x128xf32, #tpu.memory_space<hbm>>) target(%arg14 : memref<128x128xf32, #tpu.memory_space<vmem>>) offsets(%arg6 : memref<128xi32, #tpu.memory_space<vmem>>) semaphore(%arg17 : memref<!tpu.dma_semaphore, #tpu.memory_space<semaphore_mem>>)
      %scan3A_214 = arith.constant 0 : i32
      scf.yield %scan3A_214 : i32
    }
    %scan3A_77 = arith.constant 20 : i32
    %dma_wait3A_78 = arith.constant 0 : i32
    %dma_wait3A_79 = arith.constant 0 : i32
    %dma_wait3A_80 = tpu.memref_slice %arg2[%dma_wait3A_78, %dma_wait3A_79] : memref<10000x128xf32, #tpu.memory_space<hbm>> -> memref<10000x128xf32, #tpu.memory_space<hbm>>
    tpu.wait_indirect_dma semaphore(%arg17 : memref<!tpu.dma_semaphore, #tpu.memory_space<semaphore_mem>>) src(%dma_wait3A_80 : memref<10000x128xf32, #tpu.memory_space<hbm>>) dst(%arg14 : memref<128x128xf32, #tpu.memory_space<vmem>>)
    %dma_wait3A_81 = arith.constant 0 : i32
    %dma_wait3A_82 = tpu.memref_slice %arg3[%dma_wait3A_81] : memref<328192xi32, #tpu.memory_space<hbm>> -> memref<128xi32, #tpu.memory_space<hbm>>
    %dma_wait3A_83 = arith.constant 0 : i32
    %dma_wait3A_84 = tpu.memref_slice %arg3[%dma_wait3A_83] : memref<328192xi32, #tpu.memory_space<hbm>> -> memref<128xi32, #tpu.memory_space<hbm>>
    tpu.wait_dma2 semaphore(%arg20 : memref<!tpu.dma_semaphore, #tpu.memory_space<semaphore_mem>>) src(%dma_wait3A_84 : memref<128xi32, #tpu.memory_space<hbm>>) dst(%arg7 : memref<128xi32, #tpu.memory_space<vmem>>)
    %dma_wait3A_85 = arith.constant 0 : i32
    %dma_wait3A_86 = tpu.memref_slice %arg4[%dma_wait3A_85] : memref<328192xi32, #tpu.memory_space<hbm>> -> memref<128xi32, #tpu.memory_space<hbm>>
    %dma_wait3A_87 = arith.constant 0 : i32
    %dma_wait3A_88 = tpu.memref_slice %arg4[%dma_wait3A_87] : memref<328192xi32, #tpu.memory_space<hbm>> -> memref<128xi32, #tpu.memory_space<hbm>>
    tpu.wait_dma2 semaphore(%arg20 : memref<!tpu.dma_semaphore, #tpu.memory_space<semaphore_mem>>) src(%dma_wait3A_88 : memref<128xi32, #tpu.memory_space<hbm>>) dst(%arg11 : memref<128xi32, #tpu.memory_space<vmem>>)
    %dma_wait3A_89 = arith.constant 0 : i32
    %dma_wait3A_90 = tpu.memref_slice %arg3[%dma_wait3A_89] : memref<328192xi32, #tpu.memory_space<hbm>> -> memref<128xi32, #tpu.memory_space<hbm>>
    %dma_wait3A_91 = arith.constant 0 : i32
    %dma_wait3A_92 = tpu.memref_slice %arg3[%dma_wait3A_91] : memref<328192xi32, #tpu.memory_space<hbm>> -> memref<128xi32, #tpu.memory_space<hbm>>
    tpu.wait_dma2 semaphore(%arg21 : memref<!tpu.dma_semaphore, #tpu.memory_space<semaphore_mem>>) src(%dma_wait3A_92 : memref<128xi32, #tpu.memory_space<hbm>>) dst(%arg8 : memref<128xi32, #tpu.memory_space<vmem>>)
    %dma_wait3A_93 = arith.constant 0 : i32
    %dma_wait3A_94 = tpu.memref_slice %arg4[%dma_wait3A_93] : memref<328192xi32, #tpu.memory_space<hbm>> -> memref<128xi32, #tpu.memory_space<hbm>>
    %dma_wait3A_95 = arith.constant 0 : i32
    %dma_wait3A_96 = tpu.memref_slice %arg4[%dma_wait3A_95] : memref<328192xi32, #tpu.memory_space<hbm>> -> memref<128xi32, #tpu.memory_space<hbm>>
    tpu.wait_dma2 semaphore(%arg21 : memref<!tpu.dma_semaphore, #tpu.memory_space<semaphore_mem>>) src(%dma_wait3A_96 : memref<128xi32, #tpu.memory_space<hbm>>) dst(%arg12 : memref<128xi32, #tpu.memory_space<vmem>>)
    %dma_wait3A_97 = arith.constant 0 : i32
    %dma_wait3A_98 = tpu.memref_slice %arg3[%dma_wait3A_97] : memref<328192xi32, #tpu.memory_space<hbm>> -> memref<128xi32, #tpu.memory_space<hbm>>
    %dma_wait3A_99 = arith.constant 0 : i32
    %dma_wait3A_100 = tpu.memref_slice %arg3[%dma_wait3A_99] : memref<328192xi32, #tpu.memory_space<hbm>> -> memref<128xi32, #tpu.memory_space<hbm>>
    tpu.wait_dma2 semaphore(%arg22 : memref<!tpu.dma_semaphore, #tpu.memory_space<semaphore_mem>>) src(%dma_wait3A_100 : memref<128xi32, #tpu.memory_space<hbm>>) dst(%arg9 : memref<128xi32, #tpu.memory_space<vmem>>)
    %dma_wait3A_101 = arith.constant 0 : i32
    %dma_wait3A_102 = tpu.memref_slice %arg4[%dma_wait3A_101] : memref<328192xi32, #tpu.memory_space<hbm>> -> memref<128xi32, #tpu.memory_space<hbm>>
    %dma_wait3A_103 = arith.constant 0 : i32
    %dma_wait3A_104 = tpu.memref_slice %arg4[%dma_wait3A_103] : memref<328192xi32, #tpu.memory_space<hbm>> -> memref<128xi32, #tpu.memory_space<hbm>>
    tpu.wait_dma2 semaphore(%arg22 : memref<!tpu.dma_semaphore, #tpu.memory_space<semaphore_mem>>) src(%dma_wait3A_104 : memref<128xi32, #tpu.memory_space<hbm>>) dst(%arg13 : memref<128xi32, #tpu.memory_space<vmem>>)
    %barrier3A_105 = arith.constant 0 : index
    tpu.barrier barrier_id(%barrier3A_105)
    "tpu.region"() ({
      %run_scoped3A = tpu.sem_alloc : memref<!tpu.dma_semaphore, #tpu.memory_space<semaphore_mem>>
      %dma_start3A_106 = arith.constant 0 : i32
      %dma_start3A_107 = tpu.memref_slice %arg5[%arg0, %mul3A_8, %dma_start3A_106] : memref<2x10240x128xf32, #tpu.memory_space<hbm>> -> memref<1x640x128xf32, #tpu.memory_space<hbm>>
      %dma_start3A_108 = tpu.memref_squeeze %dma_start3A_107 : memref<1x640x128xf32, #tpu.memory_space<hbm>> -> memref<640x128xf32, #tpu.memory_space<hbm>>
      %dma_start3A_109 = arith.constant 0 : i32
      %dma_start3A_110 = tpu.memref_slice %arg16[%mul3A_8, %dma_start3A_109] : memref<10240x128xf32, #tpu.memory_space<vmem_shared>> -> memref<640x128xf32, #tpu.memory_space<vmem_shared>>
      tpu.enqueue_dma source(%dma_start3A_110 : memref<640x128xf32, #tpu.memory_space<vmem_shared>>) target(%dma_start3A_108 : memref<640x128xf32, #tpu.memory_space<hbm>>) target_semaphore(%run_scoped3A : memref<!tpu.dma_semaphore, #tpu.memory_space<semaphore_mem>>)
      %dma_wait3A_111 = arith.constant 0 : i32
      %dma_wait3A_112 = tpu.memref_slice %arg5[%arg0, %mul3A_8, %dma_wait3A_111] : memref<2x10240x128xf32, #tpu.memory_space<hbm>> -> memref<1x640x128xf32, #tpu.memory_space<hbm>>
      %dma_wait3A_113 = tpu.memref_squeeze %dma_wait3A_112 : memref<1x640x128xf32, #tpu.memory_space<hbm>> -> memref<640x128xf32, #tpu.memory_space<hbm>>
      %dma_wait3A_114 = arith.constant 0 : i32
      %dma_wait3A_115 = tpu.memref_slice %arg16[%mul3A_8, %dma_wait3A_114] : memref<10240x128xf32, #tpu.memory_space<vmem_shared>> -> memref<640x128xf32, #tpu.memory_space<vmem_shared>>
      tpu.wait_dma2 semaphore(%run_scoped3A : memref<!tpu.dma_semaphore, #tpu.memory_space<semaphore_mem>>) src(%dma_wait3A_115 : memref<640x128xf32, #tpu.memory_space<vmem_shared>>) dst(%dma_wait3A_113 : memref<640x128xf32, #tpu.memory_space<hbm>>)
      tpu.yield
    }) : () -> ()
    return
  }
}

module attributes {stable_mosaic.version = 14 : i64} {
  func.func @_mid_body(%arg0: i32, %arg1: memref<1000x128xf32, #tpu.memory_space<vmem>>, %arg2: memref<1000x128xf32, #tpu.memory_space<vmem>>, %arg3: memref<1000x128xf32, #tpu.memory_space<vmem>>, %arg4: memref<1000x1xf32, #tpu.memory_space<vmem>>, %arg5: memref<1000x1xf32, #tpu.memory_space<vmem>>, %arg6: memref<128x256xf32, #tpu.memory_space<vmem>>, %arg7: memref<128x256xf32, #tpu.memory_space<vmem>>, %arg8: memref<1x256xf32, #tpu.memory_space<vmem>>, %arg9: memref<256x128xf32, #tpu.memory_space<vmem>>, %arg10: memref<256x128xf32, #tpu.memory_space<vmem>>, %arg11: memref<1x128xf32, #tpu.memory_space<vmem>>, %arg12: memref<1000x128xf32, #tpu.memory_space<vmem>>, %arg13: memref<1000x128xf32, #tpu.memory_space<vmem>>) attributes {dimension_semantics = [#tpu.dimension_semantics<arbitrary>], iteration_bounds = array<i64: 10>, scalar_prefetch = 0 : i64, scratch_operands = 0 : i64, tpu.core_type = #tpu.core_type<tc>, window_params = [{transform_indices = @transform_0, window_bounds = array<i64: 1000, 128>}, {transform_indices = @transform_1, window_bounds = array<i64: 1000, 128>}, {transform_indices = @transform_2, window_bounds = array<i64: 1000, 128>}, {transform_indices = @transform_3, window_bounds = array<i64: 1000, 1>}, {transform_indices = @transform_4, window_bounds = array<i64: 1000, 1>}, {pipeline_mode = #tpu.pipeline_mode<synchronous>, transform_indices = @transform_5, window_bounds = array<i64: 128, 256>}, {pipeline_mode = #tpu.pipeline_mode<synchronous>, transform_indices = @transform_6, window_bounds = array<i64: 128, 256>}, {pipeline_mode = #tpu.pipeline_mode<synchronous>, transform_indices = @transform_7, window_bounds = array<i64: 1, 256>}, {pipeline_mode = #tpu.pipeline_mode<synchronous>, transform_indices = @transform_8, window_bounds = array<i64: 256, 128>}, {pipeline_mode = #tpu.pipeline_mode<synchronous>, transform_indices = @transform_9, window_bounds = array<i64: 256, 128>}, {pipeline_mode = #tpu.pipeline_mode<synchronous>, transform_indices = @transform_10, window_bounds = array<i64: 1, 128>}, {transform_indices = @transform_11, window_bounds = array<i64: 1000, 128>}, {transform_indices = @transform_12, window_bounds = array<i64: 1000, 128>}]} {
    %get3A = arith.constant 0 : index
    %get3A_0 = arith.constant 0 : index
    %get3A_1 = vector.load %arg4[%get3A, %get3A_0] : memref<1000x1xf32, #tpu.memory_space<vmem>>, vector<1000x1xf32>
    %get3A_2 = arith.constant 0 : index
    %get3A_3 = arith.constant 0 : index
    %get3A_4 = vector.load %arg5[%get3A_2, %get3A_3] : memref<1000x1xf32, #tpu.memory_space<vmem>>, vector<1000x1xf32>
    %add3A = arith.addf %get3A_1, %get3A_4 : vector<1000x1xf32>
    %max3A = arith.constant 1.000000e+00 : f32
    %max3A_5 = vector.broadcast %max3A : f32 to vector<1000x1xf32>
    %max3A_6 = arith.maximumf %add3A, %max3A_5 : vector<1000x1xf32>
    %get3A_7 = arith.constant 0 : index
    %get3A_8 = arith.constant 0 : index
    %get3A_9 = vector.load %arg2[%get3A_7, %get3A_8] : memref<1000x128xf32, #tpu.memory_space<vmem>>, vector<1000x128xf32>
    %get3A_10 = arith.constant 0 : index
    %get3A_11 = arith.constant 0 : index
    %get3A_12 = vector.load %arg3[%get3A_10, %get3A_11] : memref<1000x128xf32, #tpu.memory_space<vmem>>, vector<1000x128xf32>
    %add3A_13 = arith.addf %get3A_9, %get3A_12 : vector<1000x128xf32>
    %div3A = vector.broadcast %max3A_6 : vector<1000x1xf32> to vector<1000x128xf32>
    %div3A_14 = arith.divf %add3A_13, %div3A : vector<1000x128xf32>
    %get3A_15 = arith.constant 0 : index
    %get3A_16 = arith.constant 0 : index
    %get3A_17 = vector.load %arg1[%get3A_15, %get3A_16] : memref<1000x128xf32, #tpu.memory_space<vmem>>, vector<1000x128xf32>
    %get3A_18 = arith.constant 0 : index
    %get3A_19 = arith.constant 0 : index
    %get3A_20 = vector.load %arg6[%get3A_18, %get3A_19] : memref<128x256xf32, #tpu.memory_space<vmem>>, vector<128x256xf32>
    %dot_general3A = arith.constant dense<0.000000e+00> : vector<1000x256xf32>
    %dot_general3A_21 = tpu.matmul %get3A_17, %get3A_20, %dot_general3A {dimension_numbers = #tpu.dot_dimension_numbers<[1], [0], [0], [1], [0, 0, 1, 1], [], []>, precision = #tpu.contract_precision<fp32>, transpose_lhs_hint = false} : vector<1000x128xf32>, vector<128x256xf32>, vector<1000x256xf32> -> vector<1000x256xf32>
    %get3A_22 = arith.constant 0 : index
    %get3A_23 = arith.constant 0 : index
    %get3A_24 = vector.load %arg7[%get3A_22, %get3A_23] : memref<128x256xf32, #tpu.memory_space<vmem>>, vector<128x256xf32>
    %dot_general3A_25 = arith.constant dense<0.000000e+00> : vector<1000x256xf32>
    %dot_general3A_26 = tpu.matmul %div3A_14, %get3A_24, %dot_general3A_25 {dimension_numbers = #tpu.dot_dimension_numbers<[1], [0], [0], [1], [0, 0, 1, 1], [], []>, precision = #tpu.contract_precision<fp32>, transpose_lhs_hint = false} : vector<1000x128xf32>, vector<128x256xf32>, vector<1000x256xf32> -> vector<1000x256xf32>
    %add3A_27 = arith.addf %dot_general3A_21, %dot_general3A_26 : vector<1000x256xf32>
    %get3A_28 = arith.constant 0 : index
    %get3A_29 = arith.constant 0 : index
    %get3A_30 = vector.load %arg8[%get3A_28, %get3A_29] : memref<1x256xf32, #tpu.memory_space<vmem>>, vector<1x256xf32>
    %add3A_31 = vector.broadcast %get3A_30 : vector<1x256xf32> to vector<1000x256xf32>
    %add3A_32 = arith.addf %add3A_27, %add3A_31 : vector<1000x256xf32>
    %max3A_33 = arith.constant 0.000000e+00 : f32
    %max3A_34 = vector.broadcast %max3A_33 : f32 to vector<1000x256xf32>
    %max3A_35 = arith.maximumf %add3A_32, %max3A_34 : vector<1000x256xf32>
    %get3A_36 = arith.constant 0 : index
    %get3A_37 = arith.constant 0 : index
    %get3A_38 = vector.load %arg9[%get3A_36, %get3A_37] : memref<256x128xf32, #tpu.memory_space<vmem>>, vector<256x128xf32>
    %dot_general3A_39 = arith.constant dense<0.000000e+00> : vector<1000x128xf32>
    %dot_general3A_40 = tpu.matmul %max3A_35, %get3A_38, %dot_general3A_39 {dimension_numbers = #tpu.dot_dimension_numbers<[1], [0], [0], [1], [0, 0, 1, 1], [], []>, precision = #tpu.contract_precision<fp32>, transpose_lhs_hint = false} : vector<1000x256xf32>, vector<256x128xf32>, vector<1000x128xf32> -> vector<1000x128xf32>
    %get3A_41 = arith.constant 0 : index
    %get3A_42 = arith.constant 0 : index
    %get3A_43 = vector.load %arg11[%get3A_41, %get3A_42] : memref<1x128xf32, #tpu.memory_space<vmem>>, vector<1x128xf32>
    %add3A_44 = vector.broadcast %get3A_43 : vector<1x128xf32> to vector<1000x128xf32>
    %add3A_45 = arith.addf %dot_general3A_40, %add3A_44 : vector<1000x128xf32>
    %swap3A = arith.constant 0 : index
    %swap3A_46 = arith.constant 0 : index
    %swap3A_47 = vector.load %arg12[%swap3A, %swap3A_46] : memref<1000x128xf32, #tpu.memory_space<vmem>>, vector<1000x128xf32>
    tpu.vector_store %arg12[%swap3A, %swap3A_46], %add3A_45 {strides = array<i32>} : memref<1000x128xf32, #tpu.memory_space<vmem>>, vector<1000x128xf32>,
    %get3A_48 = arith.constant 0 : index
    %get3A_49 = arith.constant 0 : index
    %get3A_50 = vector.load %arg10[%get3A_48, %get3A_49] : memref<256x128xf32, #tpu.memory_space<vmem>>, vector<256x128xf32>
    %dot_general3A_51 = arith.constant dense<0.000000e+00> : vector<1000x128xf32>
    %dot_general3A_52 = tpu.matmul %max3A_35, %get3A_50, %dot_general3A_51 {dimension_numbers = #tpu.dot_dimension_numbers<[1], [0], [0], [1], [0, 0, 1, 1], [], []>, precision = #tpu.contract_precision<fp32>, transpose_lhs_hint = false} : vector<1000x256xf32>, vector<256x128xf32>, vector<1000x128xf32> -> vector<1000x128xf32>
    %swap3A_53 = arith.constant 0 : index
    %swap3A_54 = arith.constant 0 : index
    %swap3A_55 = vector.load %arg13[%swap3A_53, %swap3A_54] : memref<1000x128xf32, #tpu.memory_space<vmem>>, vector<1000x128xf32>
    tpu.vector_store %arg13[%swap3A_53, %swap3A_54], %dot_general3A_52 {strides = array<i32>} : memref<1000x128xf32, #tpu.memory_space<vmem>>, vector<1000x128xf32>,
    return
  }
  func.func @transform_0(%arg0: i32) -> (i32, i32) {
    %c0_i32 = arith.constant 0 : i32
    %c0_i32_0 = arith.constant 0 : i32
    return %arg0, %c0_i32 : i32, i32
  }
  func.func @transform_1(%arg0: i32) -> (i32, i32) {
    %c0_i32 = arith.constant 0 : i32
    %c0_i32_0 = arith.constant 0 : i32
    return %arg0, %c0_i32 : i32, i32
  }
  func.func @transform_2(%arg0: i32) -> (i32, i32) {
    %c0_i32 = arith.constant 0 : i32
    %c0_i32_0 = arith.constant 0 : i32
    return %arg0, %c0_i32 : i32, i32
  }
  func.func @transform_3(%arg0: i32) -> (i32, i32) {
    %c0_i32 = arith.constant 0 : i32
    %c0_i32_0 = arith.constant 0 : i32
    return %arg0, %c0_i32 : i32, i32
  }
  func.func @transform_4(%arg0: i32) -> (i32, i32) {
    %c0_i32 = arith.constant 0 : i32
    %c0_i32_0 = arith.constant 0 : i32
    return %arg0, %c0_i32 : i32, i32
  }
  func.func @transform_5(%arg0: i32) -> (i32, i32) {
    %c0_i32 = arith.constant 0 : i32
    %c0_i32_0 = arith.constant 0 : i32
    %c0_i32_1 = arith.constant 0 : i32
    return %c0_i32, %c0_i32_0 : i32, i32
  }
  func.func @transform_6(%arg0: i32) -> (i32, i32) {
    %c0_i32 = arith.constant 0 : i32
    %c0_i32_0 = arith.constant 0 : i32
    %c0_i32_1 = arith.constant 0 : i32
    return %c0_i32, %c0_i32_0 : i32, i32
  }
  func.func @transform_7(%arg0: i32) -> (i32, i32) {
    %c0_i32 = arith.constant 0 : i32
    %c0_i32_0 = arith.constant 0 : i32
    %c0_i32_1 = arith.constant 0 : i32
    return %c0_i32, %c0_i32_0 : i32, i32
  }
  func.func @transform_8(%arg0: i32) -> (i32, i32) {
    %c0_i32 = arith.constant 0 : i32
    %c0_i32_0 = arith.constant 0 : i32
    %c0_i32_1 = arith.constant 0 : i32
    return %c0_i32, %c0_i32_0 : i32, i32
  }
  func.func @transform_9(%arg0: i32) -> (i32, i32) {
    %c0_i32 = arith.constant 0 : i32
    %c0_i32_0 = arith.constant 0 : i32
    %c0_i32_1 = arith.constant 0 : i32
    return %c0_i32, %c0_i32_0 : i32, i32
  }
  func.func @transform_10(%arg0: i32) -> (i32, i32) {
    %c0_i32 = arith.constant 0 : i32
    %c0_i32_0 = arith.constant 0 : i32
    %c0_i32_1 = arith.constant 0 : i32
    return %c0_i32, %c0_i32_0 : i32, i32
  }
  func.func @transform_11(%arg0: i32) -> (i32, i32) {
    %c0_i32 = arith.constant 0 : i32
    %c0_i32_0 = arith.constant 0 : i32
    return %arg0, %c0_i32 : i32, i32
  }
  func.func @transform_12(%arg0: i32) -> (i32, i32) {
    %c0_i32 = arith.constant 0 : i32
    %c0_i32_0 = arith.constant 0 : i32
    return %arg0, %c0_i32 : i32, i32
  }
}

module attributes {stable_mosaic.version = 14 : i64} {
  func.func @_fin_body(%arg0: i32, %arg1: memref<1000x128xf32, #tpu.memory_space<vmem>>, %arg2: memref<1000x128xf32, #tpu.memory_space<vmem>>, %arg3: memref<1000x128xf32, #tpu.memory_space<vmem>>, %arg4: memref<1000x1xf32, #tpu.memory_space<vmem>>, %arg5: memref<1000x1xf32, #tpu.memory_space<vmem>>, %arg6: memref<1000x128xf32, #tpu.memory_space<vmem>>) attributes {dimension_semantics = [#tpu.dimension_semantics<arbitrary>], iteration_bounds = array<i64: 10>, scalar_prefetch = 0 : i64, scratch_operands = 0 : i64, tpu.core_type = #tpu.core_type<tc>, window_params = [{transform_indices = @transform_0, window_bounds = array<i64: 1000, 128>}, {transform_indices = @transform_1, window_bounds = array<i64: 1000, 128>}, {transform_indices = @transform_2, window_bounds = array<i64: 1000, 128>}, {transform_indices = @transform_3, window_bounds = array<i64: 1000, 1>}, {transform_indices = @transform_4, window_bounds = array<i64: 1000, 1>}, {transform_indices = @transform_5, window_bounds = array<i64: 1000, 128>}]} {
    %get3A = arith.constant 0 : index
    %get3A_0 = arith.constant 0 : index
    %get3A_1 = vector.load %arg4[%get3A, %get3A_0] : memref<1000x1xf32, #tpu.memory_space<vmem>>, vector<1000x1xf32>
    %get3A_2 = arith.constant 0 : index
    %get3A_3 = arith.constant 0 : index
    %get3A_4 = vector.load %arg5[%get3A_2, %get3A_3] : memref<1000x1xf32, #tpu.memory_space<vmem>>, vector<1000x1xf32>
    %add3A = arith.addf %get3A_1, %get3A_4 : vector<1000x1xf32>
    %max3A = arith.constant 1.000000e+00 : f32
    %max3A_5 = vector.broadcast %max3A : f32 to vector<1000x1xf32>
    %max3A_6 = arith.maximumf %add3A, %max3A_5 : vector<1000x1xf32>
    %get3A_7 = arith.constant 0 : index
    %get3A_8 = arith.constant 0 : index
    %get3A_9 = vector.load %arg1[%get3A_7, %get3A_8] : memref<1000x128xf32, #tpu.memory_space<vmem>>, vector<1000x128xf32>
    %get3A_10 = arith.constant 0 : index
    %get3A_11 = arith.constant 0 : index
    %get3A_12 = vector.load %arg2[%get3A_10, %get3A_11] : memref<1000x128xf32, #tpu.memory_space<vmem>>, vector<1000x128xf32>
    %get3A_13 = arith.constant 0 : index
    %get3A_14 = arith.constant 0 : index
    %get3A_15 = vector.load %arg3[%get3A_13, %get3A_14] : memref<1000x128xf32, #tpu.memory_space<vmem>>, vector<1000x128xf32>
    %add3A_16 = arith.addf %get3A_12, %get3A_15 : vector<1000x128xf32>
    %div3A = vector.broadcast %max3A_6 : vector<1000x1xf32> to vector<1000x128xf32>
    %div3A_17 = arith.divf %add3A_16, %div3A : vector<1000x128xf32>
    %add3A_18 = arith.addf %get3A_9, %div3A_17 : vector<1000x128xf32>
    %swap3A = arith.constant 0 : index
    %swap3A_19 = arith.constant 0 : index
    %swap3A_20 = vector.load %arg6[%swap3A, %swap3A_19] : memref<1000x128xf32, #tpu.memory_space<vmem>>, vector<1000x128xf32>
    tpu.vector_store %arg6[%swap3A, %swap3A_19], %add3A_18 {strides = array<i32>} : memref<1000x128xf32, #tpu.memory_space<vmem>>, vector<1000x128xf32>,
    return
  }
  func.func @transform_0(%arg0: i32) -> (i32, i32) {
    %c0_i32 = arith.constant 0 : i32
    %c0_i32_0 = arith.constant 0 : i32
    return %arg0, %c0_i32 : i32, i32
  }
  func.func @transform_1(%arg0: i32) -> (i32, i32) {
    %c0_i32 = arith.constant 0 : i32
    %c0_i32_0 = arith.constant 0 : i32
    return %arg0, %c0_i32 : i32, i32
  }
  func.func @transform_2(%arg0: i32) -> (i32, i32) {
    %c0_i32 = arith.constant 0 : i32
    %c0_i32_0 = arith.constant 0 : i32
    return %arg0, %c0_i32 : i32, i32
  }
  func.func @transform_3(%arg0: i32) -> (i32, i32) {
    %c0_i32 = arith.constant 0 : i32
    %c0_i32_0 = arith.constant 0 : i32
    return %arg0, %c0_i32 : i32, i32
  }
  func.func @transform_4(%arg0: i32) -> (i32, i32) {
    %c0_i32 = arith.constant 0 : i32
    %c0_i32_0 = arith.constant 0 : i32
    return %arg0, %c0_i32 : i32, i32
  }
  func.func @transform_5(%arg0: i32) -> (i32, i32) {
    %c0_i32 = arith.constant 0 : i32
    %c0_i32_0 = arith.constant 0 : i32
    return %arg0, %c0_i32 : i32, i32
  }
}

</mosaic_0001>

<sc_bundles>
// kernel: kernel.6.cloned.1.call-start
scs
__scs_entry_jumppad:
0x0: {  	(pc) =	sbr.rel $0x88, $3  }
0x1: {  	(tag) =	ssettag $0x0;
	lr =	simm.s32 $0x1  }
0x2: {  	[smem:$0x3F99] =	sst lr;
	_ =	strace $0xD0000000  }
0x3: {  	_ = 	snop  }
0x4: {  	_ = 	snop  }
0x5: {  	_ = 	snop  }
0x6: {  	_ = 	snop  }
0x7: {  	_ = 	snop  }
__scs_overlays_trampoline_lowered:
0x8: {  	[smem:$0x3FA8] =	sst s0  }
0x9: {  	[smem:$0x3FA9] =	sst s1  }
0xa: {  	[smem:$0x3FAA] =	sst s2  }
0xb: {  	[smem:$0x3FAB] =	sst s3  }
0xc: {  	[smem:$0x3FAC] =	sst s4  }
0xd: {  	[smem:$0x3FAD] =	sst s5  }
0xe: {  	[smem:$0x3FAE] =	sst s6  }
0xf: {  	[smem:$0x3FAF] =	sst s7  }
0x10: {  	[smem:$0x3FB0] =	sst s8  }
0x11: {  	[smem:$0x3FB1] =	sst s9;
	s0 =	simm.s32 @!p0 $0x0  }
0x12: {  	s1 =	sld [smem:$0x3F97];
	s0 =	simm.s32 @p0 $0x1  }
0x13: {  	[smem:$0x3FB2] =	sst s0;
	s0 =	simm.s32 @!p1 $0x0  }
0x14: {  	s2 =	sld [smem:$0x3F96];
	s0 =	simm.s32 @p1 $0x1  }
0x15: {  	[smem:$0x3FB3] =	sst s0;
	s0 =	simm.s32 @!p2 $0x0  }
0x16: {  	s3 =	sld [smem:$0x3FDB];
	s0 =	simm.s32 @p2 $0x1  }
0x17: {  	s4 =	simm.s32 $0x1BF5;
	[smem:$0x3FB5] =	sst s0  }
0x18: {  	s0 =	sld [smem:$0x3F98];
	_ =	swait.ge [sflag:s4], $0x0  }
0x19: {  	s7 =	sld [smem:$0x3F99]  }
0x1a: {  	s8 =	sadd.s32 $0xFFFFE003, lr  }
0x1b: {  	s9 =	sadd.s32 $0xFFFFFEF7, lr;
	s5 =	simm.s32 $0xFFFFFFFF;
	p2 =	slt.u32 s8, $0xFFFFF086  }
0x1c: {  	p1 =	slt.u32 s9, $0xF7A;
	s5 =	simm.s32 @!p2 $0x0  }
0x1d: {  	s5 =	simm.s32 @p1 $0x1;
	p0 =	seq.s32 s7, s2  }
0x1e: {  	s7 =	smul.u32 @!p0 $0xF7A, s2;
	p2 =	seq.s32 @!p0 s5, $0x0  }
0x1f: {  	s9 =	smul.u32 $0xF7A, s1;
	s8 =	simm.s32 @!p0 $0x1BF5;
	p2 =	por !p2, p0  }
0x20: {  	[sflag:s8] =	ssyncset.s32 @!p0 $0xFFFFF086;
	s6 =	sadd.s32 @!p0 s3, s7;
	s7 =	simm.s32 @!p0 $0x108  }
0x21: {  	s3 =	sadd.s32 s3, s9;
	s6 =	sadd.s32 @!p0 $0x88, s6;
	s7 =	simm.s32 @p2 $0x1082  }
0x22: {  	[simem:s7], [sflag:s8] =	dma.local @!p0 [hbm:s6], $0xF7A  }
0x23: {  	s9 =	sor.u32 $0xD0000000, s2;
	s6 =	simm.s32 $0x108;
	_ =	swait.ge @!p0 [sflag:s8], $0x0  }
0x24: {  	s3 =	sadd.s32 $0x88, s3;
	s6 =	simm.s32 @!p1 $0x1082;
	[sflag:s4] =	ssyncset.s32 $0xFFFFF086  }
0x25: {  	[simem:s6], [sflag:s4] =	dma.local [hbm:s3], $0xF7A  }
0x26: {  	[smem:$0x3F99] =	sst s1;
	(tag) =	ssettag s2;
	_ =	strace s9  }
0x27: {  	s1 =	sld [smem:$0x3FA9]  }
0x28: {  	s2 =	sld [smem:$0x3FAA]  }
0x29: {  	s4 =	sld [smem:$0x3FAC]  }
0x2a: {  	p0 =	seq.s32 s5, $0x0;
	s5 =	sld [smem:$0x3FAD]  }
0x2b: {  	s6 =	sld [smem:$0x3FAE]  }
0x2c: {  	s7 =	sld [smem:$0x3FAF]  }
0x2d: {  	s3 =	simm.s32 $0x108;
	s8 =	sld [smem:$0x3FB0]  }
0x2e: {  	s3 =	simm.s32 @!p0 $0x1082;
	s9 =	sld [smem:$0x3FB1]  }
0x2f: {  	lr =	sadd.s32 s0, s3;
	s0 =	sld [smem:$0x3FA8]  }
0x30: {  	s3 =	sld [smem:$0x3FAB]  }
0x31: {  	[smem:$0x3FB4] =	sst s10  }
0x32: {  	s10 =	sld [smem:$0x3FB2];
	_ =	sdelay $0x3  }
0x33: {  	p0 =	seq.s32 s10, $0x1;
	s10 =	sld [smem:$0x3FB4];
	_ =	sdelay $0x3  }
0x34: {  	[smem:$0x3FB4] =	sst s10  }
0x35: {  	s10 =	sld [smem:$0x3FB3];
	_ =	sdelay $0x3  }
0x36: {  	p1 =	seq.s32 s10, $0x1;
	s10 =	sld [smem:$0x3FB4];
	_ =	sdelay $0x3  }
0x37: {  	[smem:$0x3FB4] =	sst s10  }
0x38: {  	s10 =	sld [smem:$0x3FB5]  }
0x39: {  	_ = 	snop;
	(pc) =	sbr.ind lr, $3  }
0x3a: {  	_ = 	snop  }
0x3b: {  	_ = 	snop  }
0x3c: {  	p2 =	seq.s32 s10, $0x1;
	s10 =	sld [smem:$0x3FB4]  }
0x3d: {  	_ =	shalt  }
0x3e: {  	_ =	shalt  }
0x3f: {  	_ =	shalt  }
0x40: {  	_ =	shalt  }
0x41: {  	_ =	shalt  }
0x42: {  	_ =	shalt  }
0x43: {  	_ =	shalt  }
0x44: {  	_ =	shalt  }
0x45: {  	_ =	shalt  }
0x46: {  	_ =	shalt  }
0x47: {  	_ =	shalt  }
0x48: {  	_ =	shalt  }
0x49: {  	_ =	shalt  }
0x4a: {  	_ =	shalt  }
0x4b: {  	_ =	shalt  }
0x4c: {  	_ =	shalt  }
0x4d: {  	_ =	shalt  }
0x4e: {  	_ =	shalt  }
0x4f: {  	_ =	shalt  }
0x50: {  	_ =	shalt  }
0x51: {  	_ =	shalt  }
0x52: {  	_ =	shalt  }
0x53: {  	_ =	shalt  }
0x54: {  	_ =	shalt  }
0x55: {  	_ =	shalt  }
0x56: {  	_ =	shalt  }
0x57: {  	_ =	shalt  }
0x58: {  	_ =	shalt  }
0x59: {  	_ =	shalt  }
0x5a: {  	_ =	shalt  }
0x5b: {  	_ =	shalt  }
0x5c: {  	_ =	shalt  }
0x5d: {  	_ =	shalt  }
0x5e: {  	_ =	shalt  }
0x5f: {  	_ =	shalt  }
0x60: {  	_ =	shalt  }
0x61: {  	_ =	shalt  }
0x62: {  	_ =	shalt  }
0x63: {  	_ =	shalt  }
0x64: {  	_ =	shalt  }
0x65: {  	_ =	shalt  }
0x66: {  	_ =	shalt  }
0x67: {  	_ =	shalt  }
0x68: {  	_ =	shalt  }
0x69: {  	_ =	shalt  }
0x6a: {  	_ =	shalt  }
0x6b: {  	_ =	shalt  }
0x6c: {  	_ =	shalt  }
0x6d: {  	_ =	shalt  }
0x6e: {  	_ =	shalt  }
0x6f: {  	_ =	shalt  }
0x70: {  	_ =	shalt  }
0x71: {  	_ =	shalt  }
0x72: {  	_ =	shalt  }
0x73: {  	_ =	shalt  }
0x74: {  	_ =	shalt  }
0x75: {  	_ =	shalt  }
0x76: {  	_ =	shalt  }
0x77: {  	_ =	shalt  }
0x78: {  	_ =	shalt  }
0x79: {  	_ =	shalt  }
0x7a: {  	_ =	shalt  }
0x7b: {  	_ =	shalt  }
0x7c: {  	_ =	shalt  }
0x7d: {  	_ =	shalt  }
0x7e: {  	_ =	shalt  }
0x7f: {  	_ =	shalt  }
0x80: {  	_ =	shalt  }
0x81: {  	_ =	shalt  }
0x82: {  	_ =	shalt  }
0x83: {  	_ =	shalt  }
0x84: {  	_ =	shalt  }
0x85: {  	_ =	shalt  }
0x86: {  	_ =	shalt  }
0x87: {  	_ =	shalt  }
.Lfunc_end0:
.L_simem_size_0:
called_computation_lowered:
.L_overlay_start_0:
0x88: {  	s2 =	sld [smem:$0x3FD9]  }
0x89: {  	s3 =	sld [smem:$0x3FFE];
	_ =	sdelay $0x1  }
0x8a: {  	s1 =	srdreg.scid  }
0x8b: {  	s0 =	sand.u32 $0x1, s1  }
0x8c: {  	s17 =	sshll.u32 s0, $0xA;
	s2 =	sadd.s32 s3, s2  }
0x8d: {  	s2 =	sadd.s32 s2, s17  }
0x8e: {  	[smem:$0x3FC0] =	sst s2  }
0x8f: {  	_ = 	snop  }
0x90: {  	s2 =	sld [smem:$0x3FC9]  }
0x91: {  	s18 =	sld [smem:$0x3FD0];
	(tm) =	ssettm $0x1  }
0x92: {  	s4 =	sld [smem:$0x3FFB];
	_ =	sdelay $0x3  }
0x93: {  	_ =	strace s4  }
0x94: {  	s4 =	sld [smem:$0x3FFC];
	_ =	sdelay $0x3  }
0x95: {  	_ =	strace s4  }
0x96: {  	s4 =	sld [smem:$0x3FFD];
	_ =	sdelay $0x3  }
0x97: {  	_ =	strace s4  }
0x98: {  	_ =	strace $0x8FFFFFFF  }
0x99: {  	s19 =	sld [smem:$0x3FDB];
	_ =	sdelay $0x1  }
0x9a: {  	s5 =	simm.s32 $_scs_section_size  }
0x9b: {  	s6 =	simm.s32 $_size__tile_overlayer_lowered;
	s7 =	simm.s32 $_tile_overlayer_lowered  }
0x9c: {  	s22 =	simm.s32 $0x1BFF;
	s21 =	sshll.u32 s7, $0x1;
	s4 =	sadd.s32 s5, s19  }
0x9d: {  	s8 =	simm.s32 $0x0;
	s20 =	sshll.u32 s6, $0x1;
	s6 =	sadd.s32 s21, s4  }
0x9e: {  	[timem:s8], [sflag:s22] =	dma.local [hbm:s6], s20  }
0x9f: {  	_ =	swait.ge [sflag:s22], s20  }
0xa0: {  	s5 =	ssub.s32 $0x0, s20;
	[sflag:s22] =	ssyncset.done $0x0  }
0xa1: {  	[sflag:s22] =	ssyncadd.s32 s5;
	_ =	sdelay $0x1  }
0xa2: {  	s23 =	simm.s32 $0x1B8B  }
0xa3: {  	_ =	swait.ge [sflag:s23], $0x1  }
0xa4: {  	[sflag:s23] =	ssyncset.done $0x0  }
0xa5: {  	s25 =	simm.s32 $0x1B8E;
	s24 =	sld [smem:$0x3FFE];
	[sflag:s23] =	ssyncadd.s32 $0xFFFFFFFF  }
0xa6: {  	s26 =	simm.s32 $execute0_lowered;
	[smem:$0x3FD2] =	sst s25  }
0xa7: {  	s6 =	sshll.u32 s26, $0x1;
	_ =	strace $0x80000046;
	[dreg:$0x1] =	wrdreg $0xFFFFFFFF  }
0xa8: {  	s28 =	simm.s32 $_size_execute0_lowered;
	s4 =	sadd.s32 s4, s6;
	[dreg:$0x0] =	wrdreg $0x0  }
0xa9: {  	s6 =	sshll.u32 s28, $0x1;
	[dreg:$0x2] =	wrdreg s4  }
0xaa: {  	[dreg:$0x3] =	wrdreg s6  }
0xab: {  	[dreg:$0x4] =	wrdreg $0xC0  }
0xac: {  	_ =	task [dreg:s8], $0x5FFFF  }
0xad: {  	[dreg:$0x1] =	wrdreg $0xFFFFFFFF  }
0xae: {  	[dreg:$0x0] =	wrdreg $0x60  }
0xaf: {  	[dreg:$0x2] =	wrdreg s2  }
0xb0: {  	[dreg:$0x3] =	wrdreg s24  }
0xb1: {  	[dreg:$0x4] =	wrdreg s18  }
0xb2: {  	[dreg:$0x5] =	wrdreg $0x87000  }
0xb3: {  	[dreg:$0x6] =	wrdreg $0x1C7000  }
0xb4: {  	[dreg:$0x7] =	wrdreg $0x9  }
0xb5: {  	_ =	task.clear_ibuf [dreg:s8], $0x8FFFF;
	_ =	strace $0x90000046  }
0xb6: {  	s29 =	simm.s32 $0x9;
	_ =	strace $0x80000048  }
0xb7: {  	_ =	swait.ge [sflag:s29], $0x1  }
0xb8: {  	[sflag:s29] =	ssyncadd.s32 $0xFFFFFFFF  }
0xb9: {  	_ =	strace $0x90000048  }
0xba: {  	_ =	sfence  }
0xbb: {  	s30 =	sld [smem:$0x0];
	_ =	sdelay $0x2  }
0xbc: {  	s31 =	sshll.u32 s1, $0xD;
	s1 =	sshrl.u32 s1, $0x2  }
0xbd: {  	s3 =	sand.u32 $0x4000, s31;
	s1 =	sadd.s32 s1, s30  }
0xbe: {  	s0 =	sor.u32 s3, s0;
	s1 =	sshll.u32 s1, $0x11  }
0xbf: {  	s0 =	sor.u32 s1, s0  }
0xc0: {  	s0 =	sadd.s32 $0x8F2B, s0  }
0xc1: {  	[sflag:s0] =	ssyncadd.remote.s32 $0x1  }
0xc2: {  	_ =	sfence.sel $0xFFFF  }
0xc3: {  	[dreg:$0x0] =	wrdreg $0xFFFFFFFF;
	(pc) =	sbr.abs _section_cstart, $3  }
0xc4: {  	[dreg:$0x1] =	wrdreg $0xFFFFFFFF  }
0xc5: {  	_ =	task.clear_ibuf [dreg:s8], $0x2FFFF;
	_ =	strace $0x9FFFFFFF  }
0xc6: {  	(tm) =	ssettm $0x7FFFFFFF  }
0xc7: {  	_ =	shalt  }
tec
execute0_lowered:
.L_overlay_start_1:
0x0: {  	(tag) =	ssettag $0x1  }
0x1: {  	s0 =	rddreg [dreg:$0x0]  }
0x2: {  	s1 =	rddreg [dreg:$0x1]  }
0x3: {  	s2 =	rddreg [dreg:$0x2]  }
0x4: {  	s3 =	rddreg [dreg:$0x3];
	s14 =	stileid.u32  }
0x5: {  	s5 =	srdreg.scid;
	s8 =	smul.u32 $0x14000, s14  }
0x6: {  	s4 =	rddreg [dreg:$0x4];
	s28 =	simm.s32 $0x80;
	s10 =	smul.u32 $0x50000, s14  }
0x7: {  	s29 =	simm.s32 $0x280;
	s30 =	simm.s32 $0x100;
	s13 =	smul.u32 $0x280, s14  }
0x8: {  	s7 =	sand.u32 $0x1, s5;
	s16 =	sshll.u32 s14, $0x1;
	s14 =	smul.u32 $0xA0, s14  }
0x9: {  	s31 =	simm.s32 $0x300;
	s5 =	simm.s32 $0x0;
	s6 =	smul.u32 $0x140000, s7  }
0xa: {  	s9 =	sadd.s32 $0x2A00, s1;
	[smem:$0x7FF] =	sst s5;
	s15 =	smul.u32 $0x50, s7  }
0xb: {  	s11 =	ssub.s32 $0x2, s7;
	s12 =	sor.u32 s7, s16;
	s7 =	smul.u32 $0x2800, s7  }
0xc: {  	_ =	strace $0x80000047;
	s17 =	sshrl.u32 s10, $0x2;
	s18 =	sshrl.u32 s11, $0x1  }
0xd: {  	s12 =	smul.u32 $0x500, s12;
	s6 =	sadd.s32 s8, s6;
	s8 =	sadd.s32 $0xCC00, s1  }
0xe: {  	s10 =	ssub.s32 s11, s18;
	s11 =	sadd.s32 s13, s4;
	s14 =	sadd.s32 s15, s14  }
0xf: {  	s7 =	sadd.s32 s13, s7;
	s6 =	sshrl.u32 s6, $0x3;
	s16 =	sadd.s32 s9, s12  }
0x10: {  	s23 =	sor.u32 $0x10, s12;
	s24 =	sadd.s32 s8, s12;
	[dreg:$0x10] =	wrdreg s16  }
0x11: {  	s14 =	sshll.u32 s14, $0x4;
	[dreg:$0x11] =	wrdreg s24;
	s25 =	sadd.s32 s9, s23  }
0x12: {  	s7 =	sshrl.u32 s7, $0x3;
	s26 =	sadd.s32 s8, s23;
	[dreg:$0x12] =	wrdreg s25  }
0x13: {  	s1 =	sadd.s32 s6, s1;
	s16 =	sadd.s32 s14, s9;
	[dreg:$0x13] =	wrdreg s26  }
0x14: {  	s6 =	sadd.s32 s17, s3;
	s17 =	sadd.s32 s14, s8;
	[dreg:$0x6] =	wrdreg s16  }
0x15: {  	s13 =	simm.s32 $0x2;
	s2 =	sadd.s32 s2, s7;
	[dreg:$0x7] =	wrdreg s17  }
0x16: {  	s15 =	simm.s32 $0x0;
	s19 =	sadd.s32 $0x4000, s6;
	[dreg:$0x14] =	wrdreg s2  }
0x17: {  	s18 =	sor.u32 $0x60, s14;
	s20 =	sadd.s32 $0x8000, s6;
	[dreg:$0xc] =	wrdreg s19  }
0x18: {  	s23 =	sor.u32 $0x30, s12;
	s21 =	sadd.s32 $0xC000, s6;
	[dreg:$0xd] =	wrdreg s20  }
0x19: {  	s24 =	sor.u32 $0x40, s14;
	s22 =	sadd.s32 $0x10000, s6;
	[dreg:$0xe] =	wrdreg s21  }
0x1a: {  	s14 =	simm.s32 $0x6;
	s7 =	sadd.s32 s8, s23;
	[dreg:$0xf] =	wrdreg s22  }
0x1b: {  	s25 =	sadd.s32 s24, s9;
	s1 =	sadd.s32 $0x16E00, s1;
	[dreg:$0x18] =	wrdreg s7  }
0x1c: {  	s26 =	sadd.s32 s24, s8;
	s24 =	simm.s32 $0x7;
	[dreg:$0x19] =	wrdreg s1  }
0x1d: {  	s19 =	sadd.s32 s18, s9;
	s20 =	sor.u32 $0x20, s12;
	[dreg:$0xa] =	wrdreg s25  }
0x1e: {  	s22 =	sadd.s32 s18, s8;
	s12 =	sadd.s32 s9, s23;
	[dreg:$0xb] =	wrdreg s26  }
0x1f: {  	s23 =	simm.s32 $0x400;
	s26 =	simm.s32 $0x200;
	s1 =	simm.s32 $0x180  }
0x20: {  	s25 =	simm.s32 $0x380;
	s7 =	simm.s32 $0x4;
	[dreg:$0x8] =	wrdreg s19  }
0x21: {  	s21 =	sadd.s32 s9, s20;
	s2 =	sadd.s32 s8, s20;
	[dreg:$0x9] =	wrdreg s22  }
0x22: {  	[dreg:$0x17] =	wrdreg s12;
	s22 =	smax.u32 s10, $0x1;
	s8 =	simm.s32 $0x4400  }
0x23: {  	s9 =	simm.s32 $0x1;
	s10 =	simm.s32 $0x8400;
	[dreg:$0x15] =	wrdreg s21  }
0x24: {  	v0 =	vimm.f32 $0.0e+00;
	v1 =	vimm.f32 $1.000000000e+00;
	s12 =	simm.s32 $0x5;
	[dreg:$0x16] =	wrdreg s2;
	s2 =	simm.s32 $0x3  }
.LBB2_1:
0x25: {  	s16 =	sand.u32 $0xFE00, s5  }
0x26: {  	s17 =	sand.u32 $0x70, s5;
	s18 =	sshrl.u32 s16, $0x2  }
0x27: {  	s16 =	simm.s32 $0x40;
	s18 =	sor.u32 s17, s18;
	s17 =	simm.s32 $0x0  }
.LBB2_2:
0x28: {  	p0 =	sne.s32 s16, $0xFFC0  }
0x29: {  	[tilespmem:s18+$0x400] =	vst v0;
	s17 =	sadd.s32 $0x10, s17;
	s18 =	smov.u32 s16;
	s16 =	sadd.s32 $0x40, s16  }
.Ltmp0:
0x2a: {  	(pc) =	sbr.rel @p0 .LBB2_2-.Ltmp0, $4  }
0x2b: {  	_ = 	snop  }
0x2c: {  	s18 =	sand.u32 $0xFE00, s18  }
0x2d: {  	s19 =	sand.u32 $0x70, s17;
	s18 =	sshrl.u32 s18, $0x2  }
0x2e: {  	s18 =	sor.u32 s19, s18  }
0x2f: {  	[tilespmem:s18+$0x400] =	vst v0  }
0x30: {  	[tilespmem:$0x8400] =	vst v1  }
0x31: {  	[tilespmem:$0x8410] =	vst v1  }
0x32: {  	[tilespmem:$0x8420] =	vst v1  }
0x33: {  	[tilespmem:$0x8430] =	vst v1  }
0x34: {  	[tilespmem:$0x8440] =	vst v1  }
0x35: {  	[tilespmem:$0x8450] =	vst v1  }
0x36: {  	[tilespmem:$0x8460] =	vst v1  }
0x37: {  	[tilespmem:$0x8470] =	vst v1  }
0x38: {  	[tilespmem:$0x8480] =	vst v0  }
0x39: {  	[tilespmem:$0x8490] =	vst v0  }
0x3a: {  	[tilespmem:$0x84A0] =	vst v0  }
0x3b: {  	[tilespmem:$0x84B0] =	vst v0  }
0x3c: {  	[tilespmem:$0x84C0] =	vst v0  }
0x3d: {  	[tilespmem:$0x84D0] =	vst v0  }
0x3e: {  	[tilespmem:$0x84E0] =	vst v0  }
0x3f: {  	[tilespmem:$0x84F0] =	vst v0  }
0x40: {  	[tilespmem:$0x8500] =	vst v0  }
0x41: {  	[tilespmem:$0x8510] =	vst v0  }
0x42: {  	[tilespmem:$0x8520] =	vst v0  }
0x43: {  	[tilespmem:$0x8530] =	vst v0  }
0x44: {  	[tilespmem:$0x8540] =	vst v0  }
0x45: {  	[tilespmem:$0x8550] =	vst v0  }
0x46: {  	[tilespmem:$0x8560] =	vst v0  }
0x47: {  	[tilespmem:$0x8570] =	vst v0  }
0x48: {  	[tilespmem:$0x8580] =	vst v0  }
0x49: {  	[tilespmem:$0x8590] =	vst v0  }
0x4a: {  	[tilespmem:$0x85A0] =	vst v0  }
0x4b: {  	[tilespmem:$0x85B0] =	vst v0  }
0x4c: {  	[tilespmem:$0x85C0] =	vst v0  }
0x4d: {  	[tilespmem:$0x85D0] =	vst v0  }
0x4e: {  	[tilespmem:$0x85E0] =	vst v0  }
0x4f: {  	[tilespmem:$0x85F0] =	vst v0  }
0x50: {  	[tilespmem:$0x8600] =	vst v0  }
0x51: {  	[tilespmem:$0x8610] =	vst v0  }
0x52: {  	[tilespmem:$0x8620] =	vst v0  }
0x53: {  	[tilespmem:$0x8630] =	vst v0  }
0x54: {  	[tilespmem:$0x8640] =	vst v0  }
0x55: {  	[tilespmem:$0x8650] =	vst v0  }
0x56: {  	[tilespmem:$0x8660] =	vst v0  }
0x57: {  	[tilespmem:$0x8670] =	vst v0  }
0x58: {  	[tilespmem:$0x8680] =	vst v0  }
0x59: {  	[tilespmem:$0x8690] =	vst v0  }
0x5a: {  	[tilespmem:$0x86A0] =	vst v0  }
0x5b: {  	[tilespmem:$0x86B0] =	vst v0  }
0x5c: {  	[tilespmem:$0x86C0] =	vst v0  }
0x5d: {  	[tilespmem:$0x86D0] =	vst v0  }
0x5e: {  	[tilespmem:$0x86E0] =	vst v0  }
0x5f: {  	[tilespmem:$0x86F0] =	vst v0  }
0x60: {  	[spmem:s6] =	stream.linear.scatter [tilespmem:s23], [sflag:$0x7], $0x4000, $0x38;
	[tilespmem:$0x1C980] =	vst v63  }
0x61: {  	_ =	swait.ge [sflag:s24], $0x4000  }
0x62: {  	[sflag:s24] =	ssyncset.done $0x0  }
0x63: {  	s16 =	rddreg [dreg:$0xc];
	[sflag:s24] =	ssyncadd.s32 $0xFFFFC000  }
0x64: {  	[spmem:s16] =	stream.linear.scatter [tilespmem:s23], [sflag:$0x7], $0x4000, $0x38;
	[tilespmem:$0x1C980] =	vst v63  }
0x65: {  	_ =	swait.ge [sflag:s24], $0x4000  }
0x66: {  	[sflag:s24] =	ssyncset.done $0x0  }
0x67: {  	s21 =	rddreg [dreg:$0xd];
	[sflag:s24] =	ssyncadd.s32 $0xFFFFC000  }
0x68: {  	[spmem:s21] =	stream.linear.scatter [tilespmem:s23], [sflag:$0x7], $0x4000, $0x38;
	[tilespmem:$0x1C980] =	vst v63  }
0x69: {  	_ =	swait.ge [sflag:s24], $0x4000  }
0x6a: {  	[sflag:s24] =	ssyncset.done $0x0  }
0x6b: {  	s17 =	rddreg [dreg:$0xe];
	[sflag:s24] =	ssyncadd.s32 $0xFFFFC000  }
0x6c: {  	[spmem:s17] =	stream.linear.scatter [tilespmem:s23], [sflag:$0x7], $0x4000, $0x38;
	[tilespmem:$0x1C980] =	vst v63  }
0x6d: {  	_ =	swait.ge [sflag:s24], $0x4000  }
0x6e: {  	[sflag:s24] =	ssyncset.done $0x0  }
0x6f: {  	s18 =	rddreg [dreg:$0xf];
	[sflag:s24] =	ssyncadd.s32 $0xFFFFC000  }
0x70: {  	[spmem:s18] =	stream.linear.scatter [tilespmem:s23], [sflag:$0x7], $0x4000, $0x38;
	[tilespmem:$0x1C980] =	vst v63  }
0x71: {  	_ =	swait.ge [sflag:s24], $0x4000  }
0x72: {  	[sflag:s24] =	ssyncset.done $0x0  }
0x73: {  	s19 =	simm.s32 $0x8480;
	[sflag:s24] =	ssyncadd.s32 $0xFFFFC000  }
0x74: {  	[spmem:s11] =	stream.linear.scatter [tilespmem:s19], [sflag:$0x7], $0x280, $0x38;
	[tilespmem:$0x1C980] =	vst v63  }
0x75: {  	_ =	swait.ge [sflag:s24], $0x280  }
0x76: {  	[sflag:s24] =	ssyncset.done $0x0  }
0x77: {  	[sflag:s24] =	ssyncadd.s32 $0xFFFFFD80  }
0x78: {  	[bflag:$0x0] =	sbarrier.arrive $0xFFFF  }
0x79: {  	s16 =	simm.s32 $0x0;
	s17 =	rddreg [dreg:$0x10]  }
0x7a: {  	[tilespmem:s16], [sflag:$0x3] =	stream.linear.gather [hbm4b:s17+s16], $0x80, $0x38;
	[tilespmem:$0x1C980] =	vst v63  }
0x7b: {  	s20 =	rddreg [dreg:$0x11]  }
0x7c: {  	[tilespmem:s26], [sflag:$0x3] =	stream.linear.gather [hbm4b:s20+s16], $0x80, $0x38;
	[tilespmem:$0x1C980] =	vst v63  }
0x7d: {  	s21 =	rddreg [dreg:$0x12]  }
0x7e: {  	[tilespmem:s28], [sflag:$0x4] =	stream.linear.gather [hbm4b:s21+s16], $0x80, $0x38;
	[tilespmem:$0x1C980] =	vst v63  }
0x7f: {  	s18 =	rddreg [dreg:$0x13]  }
0x80: {  	[tilespmem:s29], [sflag:$0x4] =	stream.linear.gather [hbm4b:s18+s16], $0x80, $0x38;
	[tilespmem:$0x1C980] =	vst v63  }
0x81: {  	s19 =	rddreg [dreg:$0x15]  }
0x82: {  	[tilespmem:s30], [sflag:$0x5] =	stream.linear.gather [hbm4b:s19+s16], $0x80, $0x38;
	[tilespmem:$0x1C980] =	vst v63  }
0x83: {  	s20 =	rddreg [dreg:$0x16]  }
0x84: {  	[tilespmem:s31], [sflag:$0x5] =	stream.linear.gather [hbm4b:s20+s16], $0x80, $0x38;
	[tilespmem:$0x1C980] =	vst v63  }
0x85: {  	s21 =	rddreg [dreg:$0x17]  }
0x86: {  	[tilespmem:s1], [sflag:$0x6] =	stream.linear.gather [hbm4b:s21+s16], $0x80, $0x38;
	[tilespmem:$0x1C980] =	vst v63  }
0x87: {  	s18 =	rddreg [dreg:$0x18]  }
0x88: {  	[tilespmem:s25], [sflag:$0x6] =	stream.linear.gather [hbm4b:s18+s16], $0x80, $0x38;
	[tilespmem:$0x1C980] =	vst v63  }
0x89: {  	_ =	swait.ge [sflag:s2], $0x80  }
0x8a: {  	[sflag:s2] =	ssyncset.done $0x0  }
0x8b: {  	[sflag:s2] =	ssyncadd.s32 $0xFFFFFF80  }
0x8c: {  	_ =	swait.ge [sflag:s2], $0x80  }
0x8d: {  	[sflag:s2] =	ssyncset.done $0x0  }
0x8e: {  	[sflag:s2] =	ssyncadd.s32 $0xFFFFFF80  }
0x8f: {  	[tilespmem:s23], [sflag:$0x1] =	stream.indirect.gather [hbm4b:s0+s28], $0x80, s16, s28, $0xb8;
	[tilespmem:$0x1C980] =	vst v63  }
0x90: {  	_ =	swait.ge [sflag:s7], $0x80  }
0x91: {  	[sflag:s7] =	ssyncset.done $0x0  }
0x92: {  	[sflag:s7] =	ssyncadd.s32 $0xFFFFFF80  }
0x93: {  	_ =	swait.ge [sflag:s7], $0x80  }
0x94: {  	[sflag:s7] =	ssyncset.done $0x0  }
0x95: {  	[sflag:s7] =	ssyncadd.s32 $0xFFFFFF80  }
0x96: {  	[tilespmem:s8], [sflag:$0x2] =	stream.indirect.gather [hbm4b:s0+s28], $0x80, s28, s28, $0xb8;
	[tilespmem:$0x1C980] =	vst v63  }
0x97: {  	_ =	swait.ge [sflag:s9], $0x4000  }
0x98: {  	[sflag:s9] =	ssyncset.done $0x0  }
0x99: {  	[sflag:s9] =	ssyncadd.s32 $0xFFFFC000  }
0x9a: {  	[spmem:s3] =	stream.indirect.scatter.add.f32 [tilespmem:s23], [sflag:$0x7], $0x80, s26, s28, $0xb8;
	[tilespmem:$0x1C980] =	vst v63  }
0x9b: {  	_ =	swait.ge [sflag:s24], $0x4000  }
0x9c: {  	[sflag:s24] =	ssyncset.done $0x0  }
0x9d: {  	[sflag:s24] =	ssyncadd.s32 $0xFFFFC000  }
0x9e: {  	[spmem:s4] =	stream.indirect.scatter.add.f32 [tilespmem:s10], [sflag:$0x7], $0x1, s26, s28, $0xb8;
	[tilespmem:$0x1C980] =	vst v63  }
0x9f: {  	_ =	swait.ge [sflag:s24], $0x80  }
0xa0: {  	s19 =	rddreg [dreg:$0xa];
	[sflag:s24] =	ssyncset.done $0x0  }
0xa1: {  	s20 =	rddreg [dreg:$0xb];
	[sflag:s24] =	ssyncadd.s32 $0xFFFFFF80;
	s16 =	sadd.s32 $0x0, s19  }
0xa2: {  	[tilespmem:s5], [sflag:$0x3] =	stream.linear.gather [hbm4b:s16+s5], $0x80, $0x38;
	[tilespmem:$0x1C980] =	vst v63  }
0xa3: {  	s21 =	sadd.s32 $0x0, s20  }
0xa4: {  	[tilespmem:s26], [sflag:$0x3] =	stream.linear.gather [hbm4b:s21+s5], $0x80, $0x38;
	[tilespmem:$0x1C980] =	vst v63  }
0xa5: {  	_ =	swait.ge [sflag:s12], $0x80  }
0xa6: {  	[sflag:s12] =	ssyncset.done $0x0  }
0xa7: {  	[sflag:s12] =	ssyncadd.s32 $0xFFFFFF80  }
0xa8: {  	_ =	swait.ge [sflag:s12], $0x80  }
0xa9: {  	[sflag:s12] =	ssyncset.done $0x0  }
0xaa: {  	[sflag:s12] =	ssyncadd.s32 $0xFFFFFF80  }
0xab: {  	[tilespmem:s23], [sflag:$0x1] =	stream.indirect.gather [hbm4b:s0+s28], $0x80, s30, s28, $0xb8;
	[tilespmem:$0x1C980] =	vst v63  }
0xac: {  	_ =	swait.ge [sflag:s13], $0x4000  }
0xad: {  	[sflag:s13] =	ssyncset.done $0x0  }
0xae: {  	[sflag:s13] =	ssyncadd.s32 $0xFFFFC000  }
0xaf: {  	[spmem:s3] =	stream.indirect.scatter.add.f32 [tilespmem:s8], [sflag:$0x7], $0x80, s29, s28, $0xb8;
	[tilespmem:$0x1C980] =	vst v63  }
0xb0: {  	_ =	swait.ge [sflag:s24], $0x4000  }
0xb1: {  	[sflag:s24] =	ssyncset.done $0x0  }
0xb2: {  	[sflag:s24] =	ssyncadd.s32 $0xFFFFC000  }
0xb3: {  	[spmem:s4] =	stream.indirect.scatter.add.f32 [tilespmem:s10], [sflag:$0x7], $0x1, s29, s28, $0xb8;
	[tilespmem:$0x1C980] =	vst v63  }
0xb4: {  	_ =	swait.ge [sflag:s24], $0x80  }
0xb5: {  	s17 =	rddreg [dreg:$0x6]  }
0xb6: {  	s18 =	rddreg [dreg:$0x7];
	[sflag:s24] =	ssyncset.done $0x0;
	s16 =	sadd.s32 $0x0, s17  }
0xb7: {  	[sflag:s24] =	ssyncadd.s32 $0xFFFFFF80;
	s17 =	sadd.s32 $0x0, s18;
	s19 =	sadd.s32 $0x50, s16  }
0xb8: {  	[tilespmem:s28], [sflag:$0x4] =	stream.linear.gather [hbm4b:s19+s5], $0x80, $0x38;
	[tilespmem:$0x1C980] =	vst v63  }
0xb9: {  	s20 =	sadd.s32 $0x50, s17  }
0xba: {  	[tilespmem:s29], [sflag:$0x4] =	stream.linear.gather [hbm4b:s20+s5], $0x80, $0x38;
	[tilespmem:$0x1C980] =	vst v63  }
0xbb: {  	_ =	swait.ge [sflag:s14], $0x80  }
0xbc: {  	[sflag:s14] =	ssyncset.done $0x0  }
0xbd: {  	[sflag:s14] =	ssyncadd.s32 $0xFFFFFF80  }
0xbe: {  	_ =	swait.ge [sflag:s14], $0x80  }
0xbf: {  	[sflag:s14] =	ssyncset.done $0x0  }
0xc0: {  	[sflag:s14] =	ssyncadd.s32 $0xFFFFFF80  }
0xc1: {  	[tilespmem:s8], [sflag:$0x2] =	stream.indirect.gather [hbm4b:s0+s28], $0x80, s1, s28, $0xb8;
	[tilespmem:$0x1C980] =	vst v63  }
0xc2: {  	_ =	swait.ge [sflag:s9], $0x4000  }
0xc3: {  	[sflag:s9] =	ssyncset.done $0x0  }
0xc4: {  	[sflag:s9] =	ssyncadd.s32 $0xFFFFC000  }
0xc5: {  	[spmem:s3] =	stream.indirect.scatter.add.f32 [tilespmem:s23], [sflag:$0x7], $0x80, s31, s28, $0xb8;
	[tilespmem:$0x1C980] =	vst v63  }
0xc6: {  	_ =	swait.ge [sflag:s24], $0x4000  }
0xc7: {  	[sflag:s24] =	ssyncset.done $0x0  }
0xc8: {  	[sflag:s24] =	ssyncadd.s32 $0xFFFFC000  }
0xc9: {  	[spmem:s4] =	stream.indirect.scatter.add.f32 [tilespmem:s10], [sflag:$0x7], $0x1, s31, s28, $0xb8;
	[tilespmem:$0x1C980] =	vst v63  }
0xca: {  	_ =	swait.ge [sflag:s24], $0x80  }
0xcb: {  	s21 =	rddreg [dreg:$0x8];
	[sflag:s24] =	ssyncset.done $0x0  }
0xcc: {  	s19 =	rddreg [dreg:$0x9];
	[sflag:s24] =	ssyncadd.s32 $0xFFFFFF80;
	s18 =	sadd.s32 $0x0, s21  }
0xcd: {  	[tilespmem:s30], [sflag:$0x5] =	stream.linear.gather [hbm4b:s18+s5], $0x80, $0x38;
	[tilespmem:$0x1C980] =	vst v63  }
0xce: {  	s20 =	sadd.s32 $0x0, s19  }
0xcf: {  	[tilespmem:s31], [sflag:$0x5] =	stream.linear.gather [hbm4b:s20+s5], $0x80, $0x38;
	[tilespmem:$0x1C980] =	vst v63  }
0xd0: {  	_ =	swait.ge [sflag:s13], $0x4000  }
0xd1: {  	[sflag:s13] =	ssyncset.done $0x0  }
0xd2: {  	[sflag:s13] =	ssyncadd.s32 $0xFFFFC000  }
0xd3: {  	[spmem:s3] =	stream.indirect.scatter.add.f32 [tilespmem:s8], [sflag:$0x7], $0x80, s25, s28, $0xb8;
	[tilespmem:$0x1C980] =	vst v63  }
0xd4: {  	_ =	swait.ge [sflag:s24], $0x4000  }
0xd5: {  	[sflag:s24] =	ssyncset.done $0x0  }
0xd6: {  	[sflag:s24] =	ssyncadd.s32 $0xFFFFC000  }
0xd7: {  	[spmem:s4] =	stream.indirect.scatter.add.f32 [tilespmem:s10], [sflag:$0x7], $0x1, s25, s28, $0xb8;
	[tilespmem:$0x1C980] =	vst v63  }
0xd8: {  	_ =	swait.ge [sflag:s24], $0x80  }
0xd9: {  	[sflag:s24] =	ssyncset.done $0x0  }
0xda: {  	s16 =	sadd.s32 $0x70, s16;
	[sflag:s24] =	ssyncadd.s32 $0xFFFFFF80  }
0xdb: {  	[tilespmem:s1], [sflag:$0x6] =	stream.linear.gather [hbm4b:s16+s5], $0x80, $0x38;
	[tilespmem:$0x1C980] =	vst v63  }
0xdc: {  	s21 =	sadd.s32 $0x70, s17  }
0xdd: {  	[tilespmem:s25], [sflag:$0x6] =	stream.linear.gather [hbm4b:s21+s5], $0x80, $0x38;
	[tilespmem:$0x1C980] =	vst v63  }
0xde: {  	_ =	swait.ge [sflag:s2], $0x80  }
0xdf: {  	[sflag:s2] =	ssyncset.done $0x0  }
0xe0: {  	[sflag:s2] =	ssyncadd.s32 $0xFFFFFF80  }
0xe1: {  	_ =	swait.ge [sflag:s2], $0x80  }
0xe2: {  	s16 =	simm.s32 $0x40;
	[sflag:s2] =	ssyncset.done $0x0  }
.LBB2_4:
0xe3: {  	[sflag:s2] =	ssyncadd.s32 $0xFFFFFF80  }
0xe4: {  	[tilespmem:s23], [sflag:$0x1] =	stream.indirect.gather [hbm4b:s0+s28], $0x80, s5, s28, $0xb8;
	[tilespmem:$0x1C980] =	vst v63  }
0xe5: {  	_ =	swait.ge [sflag:s7], $0x80  }
0xe6: {  	[sflag:s7] =	ssyncset.done $0x0  }
0xe7: {  	[sflag:s7] =	ssyncadd.s32 $0xFFFFFF80  }
0xe8: {  	_ =	swait.ge [sflag:s7], $0x80  }
0xe9: {  	[sflag:s7] =	ssyncset.done $0x0  }
0xea: {  	[sflag:s7] =	ssyncadd.s32 $0xFFFFFF80  }
0xeb: {  	[tilespmem:s8], [sflag:$0x2] =	stream.indirect.gather [hbm4b:s0+s28], $0x80, s28, s28, $0xb8;
	[tilespmem:$0x1C980] =	vst v63  }
0xec: {  	_ =	swait.ge [sflag:s9], $0x4000  }
0xed: {  	[sflag:s9] =	ssyncset.done $0x0  }
0xee: {  	[sflag:s9] =	ssyncadd.s32 $0xFFFFC000  }
0xef: {  	[spmem:s3] =	stream.indirect.scatter.add.f32 [tilespmem:s23], [sflag:$0x7], $0x80, s26, s28, $0xb8;
	[tilespmem:$0x1C980] =	vst v63  }
0xf0: {  	_ =	swait.ge [sflag:s24], $0x4000  }
0xf1: {  	[sflag:s24] =	ssyncset.done $0x0  }
0xf2: {  	[sflag:s24] =	ssyncadd.s32 $0xFFFFC000  }
0xf3: {  	[spmem:s4] =	stream.indirect.scatter.add.f32 [tilespmem:s10], [sflag:$0x7], $0x1, s26, s28, $0xb8;
	[tilespmem:$0x1C980] =	vst v63  }
0xf4: {  	_ =	swait.ge [sflag:s24], $0x80  }
0xf5: {  	s17 =	smov.u32 s16;
	s18 =	rddreg [dreg:$0xa];
	[sflag:s24] =	ssyncset.done $0x0  }
0xf6: {  	s19 =	rddreg [dreg:$0xb];
	[sflag:s24] =	ssyncadd.s32 $0xFFFFFF80;
	s18 =	sadd.s32 s17, s18  }
0xf7: {  	[tilespmem:s5], [sflag:$0x3] =	stream.linear.gather [hbm4b:s18+s5], $0x80, $0x38;
	[tilespmem:$0x1C980] =	vst v63  }
0xf8: {  	s19 =	sadd.s32 s17, s19  }
0xf9: {  	[tilespmem:s26], [sflag:$0x3] =	stream.linear.gather [hbm4b:s19+s5], $0x80, $0x38;
	[tilespmem:$0x1C980] =	vst v63  }
0xfa: {  	_ =	swait.ge [sflag:s12], $0x80  }
0xfb: {  	[sflag:s12] =	ssyncset.done $0x0  }
0xfc: {  	[sflag:s12] =	ssyncadd.s32 $0xFFFFFF80  }
0xfd: {  	_ =	swait.ge [sflag:s12], $0x80  }
0xfe: {  	[sflag:s12] =	ssyncset.done $0x0  }
0xff: {  	[sflag:s12] =	ssyncadd.s32 $0xFFFFFF80  }
0x100: {  	[tilespmem:s23], [sflag:$0x1] =	stream.indirect.gather [hbm4b:s0+s28], $0x80, s30, s28, $0xb8;
	[tilespmem:$0x1C980] =	vst v63  }
0x101: {  	_ =	swait.ge [sflag:s13], $0x4000  }
0x102: {  	[sflag:s13] =	ssyncset.done $0x0  }
0x103: {  	[sflag:s13] =	ssyncadd.s32 $0xFFFFC000  }
0x104: {  	[spmem:s3] =	stream.indirect.scatter.add.f32 [tilespmem:s8], [sflag:$0x7], $0x80, s29, s28, $0xb8;
	[tilespmem:$0x1C980] =	vst v63  }
0x105: {  	_ =	swait.ge [sflag:s24], $0x4000  }
0x106: {  	[sflag:s24] =	ssyncset.done $0x0  }
0x107: {  	[sflag:s24] =	ssyncadd.s32 $0xFFFFC000  }
0x108: {  	[spmem:s4] =	stream.indirect.scatter.add.f32 [tilespmem:s10], [sflag:$0x7], $0x1, s29, s28, $0xb8;
	[tilespmem:$0x1C980] =	vst v63  }
0x109: {  	_ =	swait.ge [sflag:s24], $0x80  }
0x10a: {  	s20 =	rddreg [dreg:$0x6]  }
0x10b: {  	s21 =	rddreg [dreg:$0x7];
	[sflag:s24] =	ssyncset.done $0x0;
	s18 =	sadd.s32 s17, s20  }
0x10c: {  	[sflag:s24] =	ssyncadd.s32 $0xFFFFFF80;
	s19 =	sadd.s32 s17, s21;
	s20 =	sadd.s32 $0x50, s18  }
0x10d: {  	[tilespmem:s28], [sflag:$0x4] =	stream.linear.gather [hbm4b:s20+s5], $0x80, $0x38;
	[tilespmem:$0x1C980] =	vst v63  }
0x10e: {  	s21 =	sadd.s32 $0x50, s19  }
0x10f: {  	[tilespmem:s29], [sflag:$0x4] =	stream.linear.gather [hbm4b:s21+s5], $0x80, $0x38;
	[tilespmem:$0x1C980] =	vst v63  }
0x110: {  	_ =	swait.ge [sflag:s14], $0x80  }
0x111: {  	[sflag:s14] =	ssyncset.done $0x0  }
0x112: {  	[sflag:s14] =	ssyncadd.s32 $0xFFFFFF80  }
0x113: {  	_ =	swait.ge [sflag:s14], $0x80  }
0x114: {  	[sflag:s14] =	ssyncset.done $0x0  }
0x115: {  	[sflag:s14] =	ssyncadd.s32 $0xFFFFFF80  }
0x116: {  	[tilespmem:s8], [sflag:$0x2] =	stream.indirect.gather [hbm4b:s0+s28], $0x80, s1, s28, $0xb8;
	[tilespmem:$0x1C980] =	vst v63  }
0x117: {  	_ =	swait.ge [sflag:s9], $0x4000  }
0x118: {  	[sflag:s9] =	ssyncset.done $0x0  }
0x119: {  	[sflag:s9] =	ssyncadd.s32 $0xFFFFC000  }
0x11a: {  	[spmem:s3] =	stream.indirect.scatter.add.f32 [tilespmem:s23], [sflag:$0x7], $0x80, s31, s28, $0xb8;
	[tilespmem:$0x1C980] =	vst v63  }
0x11b: {  	_ =	swait.ge [sflag:s24], $0x4000  }
0x11c: {  	[sflag:s24] =	ssyncset.done $0x0  }
0x11d: {  	[sflag:s24] =	ssyncadd.s32 $0xFFFFC000  }
0x11e: {  	[spmem:s4] =	stream.indirect.scatter.add.f32 [tilespmem:s10], [sflag:$0x7], $0x1, s31, s28, $0xb8;
	[tilespmem:$0x1C980] =	vst v63  }
0x11f: {  	_ =	swait.ge [sflag:s24], $0x80  }
0x120: {  	s20 =	rddreg [dreg:$0x8];
	[sflag:s24] =	ssyncset.done $0x0  }
0x121: {  	s21 =	rddreg [dreg:$0x9];
	[sflag:s24] =	ssyncadd.s32 $0xFFFFFF80;
	s20 =	sadd.s32 s17, s20  }
0x122: {  	[tilespmem:s30], [sflag:$0x5] =	stream.linear.gather [hbm4b:s20+s5], $0x80, $0x38;
	[tilespmem:$0x1C980] =	vst v63  }
0x123: {  	s17 =	sadd.s32 s17, s21  }
0x124: {  	[tilespmem:s31], [sflag:$0x5] =	stream.linear.gather [hbm4b:s17+s5], $0x80, $0x38;
	[tilespmem:$0x1C980] =	vst v63  }
0x125: {  	_ =	swait.ge [sflag:s13], $0x4000  }
0x126: {  	[sflag:s13] =	ssyncset.done $0x0  }
0x127: {  	[sflag:s13] =	ssyncadd.s32 $0xFFFFC000  }
0x128: {  	[spmem:s3] =	stream.indirect.scatter.add.f32 [tilespmem:s8], [sflag:$0x7], $0x80, s25, s28, $0xb8;
	[tilespmem:$0x1C980] =	vst v63  }
0x129: {  	_ =	swait.ge [sflag:s24], $0x4000  }
0x12a: {  	[sflag:s24] =	ssyncset.done $0x0  }
0x12b: {  	[sflag:s24] =	ssyncadd.s32 $0xFFFFC000  }
0x12c: {  	[spmem:s4] =	stream.indirect.scatter.add.f32 [tilespmem:s10], [sflag:$0x7], $0x1, s25, s28, $0xb8;
	[tilespmem:$0x1C980] =	vst v63  }
0x12d: {  	_ =	swait.ge [sflag:s24], $0x80  }
0x12e: {  	[sflag:s24] =	ssyncset.done $0x0  }
0x12f: {  	s20 =	sadd.s32 $0x70, s18;
	[sflag:s24] =	ssyncadd.s32 $0xFFFFFF80  }
0x130: {  	[tilespmem:s1], [sflag:$0x6] =	stream.linear.gather [hbm4b:s20+s5], $0x80, $0x38;
	[tilespmem:$0x1C980] =	vst v63  }
0x131: {  	p0 =	sne.s32 s16, $0x4C0;
	s21 =	sadd.s32 $0x70, s19  }
0x132: {  	[tilespmem:s25], [sflag:$0x6] =	stream.linear.gather [hbm4b:s21+s5], $0x80, $0x38;
	[tilespmem:$0x1C980] =	vst v63  }
.Ltmp1:
0x133: {  	_ =	swait.ge [sflag:s2], $0x80;
	(pc) =	sbr.rel @p0 .LBB2_4-.Ltmp1, $4  }
0x134: {  	[sflag:s2] =	ssyncset.done $0x0  }
0x135: {  	[sflag:s2] =	ssyncadd.s32 $0xFFFFFF80  }
0x136: {  	_ =	swait.ge [sflag:s2], $0x80  }
0x137: {  	s16 =	sadd.s32 $0x40, s16;
	[sflag:s2] =	ssyncset.done $0x0  }
0x138: {  	[sflag:s2] =	ssyncadd.s32 $0xFFFFFF80  }
0x139: {  	[tilespmem:s23], [sflag:$0x1] =	stream.indirect.gather [hbm4b:s0+s28], $0x80, s5, s28, $0xb8;
	[tilespmem:$0x1C980] =	vst v63  }
0x13a: {  	_ =	swait.ge [sflag:s9], $0x4000  }
0x13b: {  	[sflag:s9] =	ssyncset.done $0x0  }
0x13c: {  	[sflag:s9] =	ssyncadd.s32 $0xFFFFC000  }
0x13d: {  	_ =	swait.ge [sflag:s7], $0x80  }
0x13e: {  	[sflag:s7] =	ssyncset.done $0x0  }
0x13f: {  	[sflag:s7] =	ssyncadd.s32 $0xFFFFFF80  }
0x140: {  	_ =	swait.ge [sflag:s7], $0x80  }
0x141: {  	[sflag:s7] =	ssyncset.done $0x0  }
0x142: {  	[sflag:s7] =	ssyncadd.s32 $0xFFFFFF80  }
0x143: {  	_ =	swait.ge [sflag:s12], $0x80  }
0x144: {  	[sflag:s12] =	ssyncset.done $0x0  }
0x145: {  	[sflag:s12] =	ssyncadd.s32 $0xFFFFFF80  }
0x146: {  	_ =	swait.ge [sflag:s12], $0x80  }
0x147: {  	[sflag:s12] =	ssyncset.done $0x0  }
0x148: {  	[sflag:s12] =	ssyncadd.s32 $0xFFFFFF80  }
0x149: {  	_ =	swait.ge [sflag:s14], $0x80  }
0x14a: {  	[sflag:s14] =	ssyncset.done $0x0  }
0x14b: {  	[sflag:s14] =	ssyncadd.s32 $0xFFFFFF80  }
0x14c: {  	_ =	swait.ge [sflag:s14], $0x80  }
0x14d: {  	[sflag:s14] =	ssyncset.done $0x0  }
0x14e: {  	s16 =	stileid.u32;
	[sflag:s14] =	ssyncadd.s32 $0xFFFFFF80  }
0x14f: {  	s16 =	sshll.u32 s16, $0x6;
	[bflag:$0x0] =	sbarrier.arrive $0xFFFF  }
0x150: {  	s17 =	sshrl.u32 s6, $0x3;
	s16 =	sor.u32 $0x1C07, s16;
	s18 =	rddreg [dreg:$0x19]  }
0x151: {  	[hbm:s18], [sflag:s16] =	dma.local [spmem:s17], $0x2800  }
0x152: {  	s15 =	sadd.s32 $0x1, s15;
	_ =	swait.ge [sflag:s24], $0x2800  }
0x153: {  	s20 =	sshrl.u32 s11, $0x3;
	p0 =	sne.s32 s15, s22;
	[sflag:s24] =	ssyncset.done $0x0  }
.Ltmp2:
0x154: {  	s21 =	rddreg [dreg:$0x14];
	[sflag:s24] =	ssyncadd.s32 $0xFFFFD800;
	(pc) =	sbr.rel @p0 .LBB2_1-.Ltmp2, $4  }
0x155: {  	[hbm:s21], [sflag:s16] =	dma.local [spmem:s20], $0x50  }
0x156: {  	_ =	swait.ge [sflag:s24], $0x50  }
0x157: {  	[sflag:s24] =	ssyncset.done $0x0  }
0x158: {  	[sflag:s24] =	ssyncadd.s32 $0xFFFFFFB0  }
0x159: {  	_ =	sfence.sel $0x180000  }
0x15a: {  	[bflag:$0x0] =	sbarrier.arrive $0xFFFF  }
0x15b: {  	_ =	strace $0x90000047  }
0x15c: {  	s0 =	stileid.u32;
	[bflag:$0x2] =	sbarrier.arrive $0xFFFF  }
0x15d: {  	p0 =	sne.s32 s0, $0x0;
	s0 =	rddreg [dreg:$0x5]  }
0x15e: {  	s0 =	sadd.s32 @!p0 $0x100000, s0  }
0x15f: {  	[sflag:s0] =	ssyncadd.tile.s32 @!p0 $0x1;
	_ =	shalt  }
.Lfunc_end2:
_tile_overlayer_lowered:
.L_overlay_start_2:
0x160: {  	(tag) =	ssettag $0x2  }
0x161: {  	s0 =	rddreg [dreg:$0x0];
	s2 =	stileid.u32  }
0x162: {  	s1 =	rddreg [dreg:$0x1];
	p0 =	sne.s32 s2, $0x0  }
0x163: {  	s3 =	rddreg [dreg:$0x2];
	[bflag:$0x3] =	sbarrier.arrive $0xFFFF;
	s2 =	simm.s32 @!p0 $0x1C07  }
0x164: {  	[timem:s3], [sflag:s2] =	dma.local @!p0 [hbm:s0], s1  }
0x165: {  	s0 =	simm.s32 @!p0 $0x7  }
0x166: {  	_ =	swait.ge @!p0 [sflag:s0], s1  }
0x167: {  	s1 =	ssub.s32 @!p0 $0x0, s1;
	[sflag:s0] =	ssyncset.done @!p0 $0x0  }
0x168: {  	[sflag:s0] =	ssyncadd.s32 @!p0 s1  }
0x169: {  	[bflag:$0x3] =	sbarrier.arrive $0xFFFF  }
0x16a: {  	_ =	shalt  }

// kernel: kernel.9.cloned.1.call-start
scs
__scs_entry_jumppad:
0x0: {  	(pc) =	sbr.rel $0x88, $3  }
0x1: {  	(tag) =	ssettag $0x0;
	lr =	simm.s32 $0x1  }
0x2: {  	[smem:$0x3F99] =	sst lr;
	_ =	strace $0xD0000000  }
0x3: {  	_ = 	snop  }
0x4: {  	_ = 	snop  }
0x5: {  	_ = 	snop  }
0x6: {  	_ = 	snop  }
0x7: {  	_ = 	snop  }
__scs_overlays_trampoline_lowered:
0x8: {  	[smem:$0x3FA8] =	sst s0  }
0x9: {  	[smem:$0x3FA9] =	sst s1  }
0xa: {  	[smem:$0x3FAA] =	sst s2  }
0xb: {  	[smem:$0x3FAB] =	sst s3  }
0xc: {  	[smem:$0x3FAC] =	sst s4  }
0xd: {  	[smem:$0x3FAD] =	sst s5  }
0xe: {  	[smem:$0x3FAE] =	sst s6  }
0xf: {  	[smem:$0x3FAF] =	sst s7  }
0x10: {  	[smem:$0x3FB0] =	sst s8  }
0x11: {  	[smem:$0x3FB1] =	sst s9;
	s0 =	simm.s32 @!p0 $0x0  }
0x12: {  	s1 =	sld [smem:$0x3F97];
	s0 =	simm.s32 @p0 $0x1  }
0x13: {  	[smem:$0x3FB2] =	sst s0;
	s0 =	simm.s32 @!p1 $0x0  }
0x14: {  	s2 =	sld [smem:$0x3F96];
	s0 =	simm.s32 @p1 $0x1  }
0x15: {  	[smem:$0x3FB3] =	sst s0;
	s0 =	simm.s32 @!p2 $0x0  }
0x16: {  	s3 =	sld [smem:$0x3FDB];
	s0 =	simm.s32 @p2 $0x1  }
0x17: {  	s4 =	simm.s32 $0x1BF5;
	[smem:$0x3FB5] =	sst s0  }
0x18: {  	s0 =	sld [smem:$0x3F98];
	_ =	swait.ge [sflag:s4], $0x0  }
0x19: {  	s7 =	sld [smem:$0x3F99]  }
0x1a: {  	s8 =	sadd.s32 $0xFFFFE003, lr  }
0x1b: {  	s9 =	sadd.s32 $0xFFFFFEF7, lr;
	s5 =	simm.s32 $0xFFFFFFFF;
	p2 =	slt.u32 s8, $0xFFFFF086  }
0x1c: {  	p1 =	slt.u32 s9, $0xF7A;
	s5 =	simm.s32 @!p2 $0x0  }
0x1d: {  	s5 =	simm.s32 @p1 $0x1;
	p0 =	seq.s32 s7, s2  }
0x1e: {  	s7 =	smul.u32 @!p0 $0xF7A, s2;
	p2 =	seq.s32 @!p0 s5, $0x0  }
0x1f: {  	s9 =	smul.u32 $0xF7A, s1;
	s8 =	simm.s32 @!p0 $0x1BF5;
	p2 =	por !p2, p0  }
0x20: {  	[sflag:s8] =	ssyncset.s32 @!p0 $0xFFFFF086;
	s6 =	sadd.s32 @!p0 s3, s7;
	s7 =	simm.s32 @!p0 $0x108  }
0x21: {  	s3 =	sadd.s32 s3, s9;
	s6 =	sadd.s32 @!p0 $0x88, s6;
	s7 =	simm.s32 @p2 $0x1082  }
0x22: {  	[simem:s7], [sflag:s8] =	dma.local @!p0 [hbm:s6], $0xF7A  }
0x23: {  	s9 =	sor.u32 $0xD0000000, s2;
	s6 =	simm.s32 $0x108;
	_ =	swait.ge @!p0 [sflag:s8], $0x0  }
0x24: {  	s3 =	sadd.s32 $0x88, s3;
	s6 =	simm.s32 @!p1 $0x1082;
	[sflag:s4] =	ssyncset.s32 $0xFFFFF086  }
0x25: {  	[simem:s6], [sflag:s4] =	dma.local [hbm:s3], $0xF7A  }
0x26: {  	[smem:$0x3F99] =	sst s1;
	(tag) =	ssettag s2;
	_ =	strace s9  }
0x27: {  	s1 =	sld [smem:$0x3FA9]  }
0x28: {  	s2 =	sld [smem:$0x3FAA]  }
0x29: {  	s4 =	sld [smem:$0x3FAC]  }
0x2a: {  	p0 =	seq.s32 s5, $0x0;
	s5 =	sld [smem:$0x3FAD]  }
0x2b: {  	s6 =	sld [smem:$0x3FAE]  }
0x2c: {  	s7 =	sld [smem:$0x3FAF]  }
0x2d: {  	s3 =	simm.s32 $0x108;
	s8 =	sld [smem:$0x3FB0]  }
0x2e: {  	s3 =	simm.s32 @!p0 $0x1082;
	s9 =	sld [smem:$0x3FB1]  }
0x2f: {  	lr =	sadd.s32 s0, s3;
	s0 =	sld [smem:$0x3FA8]  }
0x30: {  	s3 =	sld [smem:$0x3FAB]  }
0x31: {  	[smem:$0x3FB4] =	sst s10  }
0x32: {  	s10 =	sld [smem:$0x3FB2];
	_ =	sdelay $0x3  }
0x33: {  	p0 =	seq.s32 s10, $0x1;
	s10 =	sld [smem:$0x3FB4];
	_ =	sdelay $0x3  }
0x34: {  	[smem:$0x3FB4] =	sst s10  }
0x35: {  	s10 =	sld [smem:$0x3FB3];
	_ =	sdelay $0x3  }
0x36: {  	p1 =	seq.s32 s10, $0x1;
	s10 =	sld [smem:$0x3FB4];
	_ =	sdelay $0x3  }
0x37: {  	[smem:$0x3FB4] =	sst s10  }
0x38: {  	s10 =	sld [smem:$0x3FB5]  }
0x39: {  	_ = 	snop;
	(pc) =	sbr.ind lr, $3  }
0x3a: {  	_ = 	snop  }
0x3b: {  	_ = 	snop  }
0x3c: {  	p2 =	seq.s32 s10, $0x1;
	s10 =	sld [smem:$0x3FB4]  }
0x3d: {  	_ =	shalt  }
0x3e: {  	_ =	shalt  }
0x3f: {  	_ =	shalt  }
0x40: {  	_ =	shalt  }
0x41: {  	_ =	shalt  }
0x42: {  	_ =	shalt  }
0x43: {  	_ =	shalt  }
0x44: {  	_ =	shalt  }
0x45: {  	_ =	shalt  }
0x46: {  	_ =	shalt  }
0x47: {  	_ =	shalt  }
0x48: {  	_ =	shalt  }
0x49: {  	_ =	shalt  }
0x4a: {  	_ =	shalt  }
0x4b: {  	_ =	shalt  }
0x4c: {  	_ =	shalt  }
0x4d: {  	_ =	shalt  }
0x4e: {  	_ =	shalt  }
0x4f: {  	_ =	shalt  }
0x50: {  	_ =	shalt  }
0x51: {  	_ =	shalt  }
0x52: {  	_ =	shalt  }
0x53: {  	_ =	shalt  }
0x54: {  	_ =	shalt  }
0x55: {  	_ =	shalt  }
0x56: {  	_ =	shalt  }
0x57: {  	_ =	shalt  }
0x58: {  	_ =	shalt  }
0x59: {  	_ =	shalt  }
0x5a: {  	_ =	shalt  }
0x5b: {  	_ =	shalt  }
0x5c: {  	_ =	shalt  }
0x5d: {  	_ =	shalt  }
0x5e: {  	_ =	shalt  }
0x5f: {  	_ =	shalt  }
0x60: {  	_ =	shalt  }
0x61: {  	_ =	shalt  }
0x62: {  	_ =	shalt  }
0x63: {  	_ =	shalt  }
0x64: {  	_ =	shalt  }
0x65: {  	_ =	shalt  }
0x66: {  	_ =	shalt  }
0x67: {  	_ =	shalt  }
0x68: {  	_ =	shalt  }
0x69: {  	_ =	shalt  }
0x6a: {  	_ =	shalt  }
0x6b: {  	_ =	shalt  }
0x6c: {  	_ =	shalt  }
0x6d: {  	_ =	shalt  }
0x6e: {  	_ =	shalt  }
0x6f: {  	_ =	shalt  }
0x70: {  	_ =	shalt  }
0x71: {  	_ =	shalt  }
0x72: {  	_ =	shalt  }
0x73: {  	_ =	shalt  }
0x74: {  	_ =	shalt  }
0x75: {  	_ =	shalt  }
0x76: {  	_ =	shalt  }
0x77: {  	_ =	shalt  }
0x78: {  	_ =	shalt  }
0x79: {  	_ =	shalt  }
0x7a: {  	_ =	shalt  }
0x7b: {  	_ =	shalt  }
0x7c: {  	_ =	shalt  }
0x7d: {  	_ =	shalt  }
0x7e: {  	_ =	shalt  }
0x7f: {  	_ =	shalt  }
0x80: {  	_ =	shalt  }
0x81: {  	_ =	shalt  }
0x82: {  	_ =	shalt  }
0x83: {  	_ =	shalt  }
0x84: {  	_ =	shalt  }
0x85: {  	_ =	shalt  }
0x86: {  	_ =	shalt  }
0x87: {  	_ =	shalt  }
.Lfunc_end0:
.L_simem_size_0:
called_computation.1_lowered:
.L_overlay_start_0:
0x88: {  	s2 =	sld [smem:$0x3FD9]  }
0x89: {  	s3 =	sld [smem:$0x3FFE];
	_ =	sdelay $0x1  }
0x8a: {  	s1 =	srdreg.scid  }
0x8b: {  	s0 =	sand.u32 $0x1, s1  }
0x8c: {  	s17 =	sshll.u32 s0, $0xA;
	s2 =	sadd.s32 s3, s2  }
0x8d: {  	s2 =	sadd.s32 s2, s17  }
0x8e: {  	[smem:$0x3FC0] =	sst s2  }
0x8f: {  	_ = 	snop  }
0x90: {  	s2 =	sld [smem:$0x3FD0];
	(tm) =	ssettm $0x1  }
0x91: {  	s18 =	sld [smem:$0x3FFB];
	_ =	sdelay $0x3  }
0x92: {  	_ =	strace s18  }
0x93: {  	s3 =	sld [smem:$0x3FFC];
	_ =	sdelay $0x3  }
0x94: {  	_ =	strace s3  }
0x95: {  	s3 =	sld [smem:$0x3FFD];
	_ =	sdelay $0x3  }
0x96: {  	_ =	strace s3  }
0x97: {  	_ =	strace $0x8FFFFFFF  }
0x98: {  	s19 =	sld [smem:$0x3FDB];
	_ =	sdelay $0x1  }
0x99: {  	s4 =	simm.s32 $_scs_section_size  }
0x9a: {  	s5 =	simm.s32 $_size__tile_overlayer_lowered;
	s6 =	simm.s32 $_tile_overlayer_lowered  }
0x9b: {  	s22 =	simm.s32 $0x1BFF;
	s21 =	sshll.u32 s6, $0x1;
	s3 =	sadd.s32 s4, s19  }
0x9c: {  	s7 =	simm.s32 $0x0;
	s20 =	sshll.u32 s5, $0x1;
	s5 =	sadd.s32 s21, s3  }
0x9d: {  	[timem:s7], [sflag:s22] =	dma.local [hbm:s5], s20  }
0x9e: {  	_ =	swait.ge [sflag:s22], s20  }
0x9f: {  	s4 =	ssub.s32 $0x0, s20;
	[sflag:s22] =	ssyncset.done $0x0  }
0xa0: {  	[sflag:s22] =	ssyncadd.s32 s4;
	_ =	sdelay $0x1  }
0xa1: {  	s23 =	simm.s32 $0x1B8B  }
0xa2: {  	_ =	swait.ge [sflag:s23], $0x1  }
0xa3: {  	[sflag:s23] =	ssyncset.done $0x0  }
0xa4: {  	s25 =	simm.s32 $0x1B8E;
	s24 =	sld [smem:$0x3FFE];
	[sflag:s23] =	ssyncadd.s32 $0xFFFFFFFF  }
0xa5: {  	s26 =	simm.s32 $execute0_lowered;
	[smem:$0x3FD2] =	sst s25  }
0xa6: {  	s5 =	sshll.u32 s26, $0x1;
	_ =	strace $0x80000049;
	[dreg:$0x1] =	wrdreg $0xFFFFFFFF  }
0xa7: {  	s28 =	simm.s32 $_size_execute0_lowered;
	s3 =	sadd.s32 s3, s5;
	[dreg:$0x0] =	wrdreg $0x0  }
0xa8: {  	s5 =	sshll.u32 s28, $0x1;
	[dreg:$0x2] =	wrdreg s3  }
0xa9: {  	[dreg:$0x3] =	wrdreg s5  }
0xaa: {  	[dreg:$0x4] =	wrdreg $0xC0  }
0xab: {  	_ =	task [dreg:s7], $0x5FFFF  }
0xac: {  	[dreg:$0x1] =	wrdreg $0xFFFFFFFF  }
0xad: {  	[dreg:$0x0] =	wrdreg $0x60  }
0xae: {  	[dreg:$0x2] =	wrdreg s2  }
0xaf: {  	[dreg:$0x3] =	wrdreg s24  }
0xb0: {  	[dreg:$0x4] =	wrdreg $0x84000  }
0xb1: {  	[dreg:$0x5] =	wrdreg $0x9  }
0xb2: {  	_ =	task.clear_ibuf [dreg:s7], $0x6FFFF;
	_ =	strace $0x90000049  }
0xb3: {  	s29 =	simm.s32 $0x9;
	_ =	strace $0x8000004B  }
0xb4: {  	_ =	swait.ge [sflag:s29], $0x1  }
0xb5: {  	[sflag:s29] =	ssyncadd.s32 $0xFFFFFFFF  }
0xb6: {  	_ =	strace $0x9000004B  }
0xb7: {  	_ =	sfence  }
0xb8: {  	s30 =	sld [smem:$0x0];
	_ =	sdelay $0x2  }
0xb9: {  	s31 =	sshll.u32 s1, $0xD;
	s1 =	sshrl.u32 s1, $0x2  }
0xba: {  	s3 =	sand.u32 $0x4000, s31;
	s1 =	sadd.s32 s1, s30  }
0xbb: {  	s0 =	sor.u32 s3, s0;
	s1 =	sshll.u32 s1, $0x11  }
0xbc: {  	s0 =	sor.u32 s1, s0  }
0xbd: {  	s0 =	sadd.s32 $0x8F2B, s0  }
0xbe: {  	[sflag:s0] =	ssyncadd.remote.s32 $0x1  }
0xbf: {  	_ =	sfence.sel $0xFFFF  }
0xc0: {  	[dreg:$0x0] =	wrdreg $0xFFFFFFFF;
	(pc) =	sbr.abs _section_cstart, $3  }
0xc1: {  	[dreg:$0x1] =	wrdreg $0xFFFFFFFF  }
0xc2: {  	_ =	task.clear_ibuf [dreg:s7], $0x2FFFF;
	_ =	strace $0x9FFFFFFF  }
0xc3: {  	(tm) =	ssettm $0x7FFFFFFF  }
tec
execute0_lowered:
.L_overlay_start_1:
0x0: {  	(tag) =	ssettag $0x1  }
0x1: {  	s0 =	rddreg [dreg:$0x0]  }
0x2: {  	s1 =	rddreg [dreg:$0x1];
	s2 =	srdreg.scid  }
0x3: {  	s3 =	rddreg [dreg:$0x2];
	s11 =	stileid.u32;
	s4 =	simm.s32 $0x0  }
0x4: {  	s28 =	simm.s32 $0x100;
	s29 =	simm.s32 $0x300;
	s6 =	smul.u32 $0x14000, s11  }
0x5: {  	s30 =	simm.s32 $0x180;
	s31 =	simm.s32 $0x380;
	s7 =	smul.u32 $0x50000, s11  }
0x6: {  	s2 =	sand.u32 $0x1, s2;
	[smem:$0x7FF] =	sst s4;
	s14 =	smul.u32 $0xA0, s11  }
0x7: {  	s8 =	sadd.s32 $0xCC00, s1;
	s10 =	sshll.u32 s11, $0x1;
	s5 =	smul.u32 $0x140000, s2  }
0x8: {  	_ =	strace $0x8000004A;
	s24 =	ssub.s32 $0x2, s2;
	s10 =	sor.u32 s2, s10  }
0x9: {  	s2 =	smul.u32 $0x50, s2;
	s9 =	sshrl.u32 s24, $0x1;
	s7 =	sshrl.u32 s7, $0x2  }
0xa: {  	s26 =	smul.u32 $0x500, s10;
	s10 =	simm.s32 $0x6;
	s5 =	sadd.s32 s6, s5  }
0xb: {  	s6 =	sadd.s32 $0x2A00, s1;
	s9 =	ssub.s32 s24, s9;
	s2 =	sadd.s32 s2, s14  }
0xc: {  	s5 =	sshrl.u32 s5, $0x3;
	s15 =	sadd.s32 s6, s26;
	s16 =	sor.u32 $0x10, s26  }
0xd: {  	s18 =	sor.u32 $0x20, s26;
	s2 =	sshll.u32 s2, $0x4;
	s1 =	sadd.s32 s5, s1  }
0xe: {  	s5 =	sadd.s32 s7, s3;
	[dreg:$0xc] =	wrdreg s15;
	s17 =	sadd.s32 s6, s16  }
0xf: {  	s11 =	sadd.s32 s8, s16;
	s19 =	sadd.s32 s6, s18;
	[dreg:$0xe] =	wrdreg s17  }
0x10: {  	s20 =	sadd.s32 s8, s18;
	s22 =	sadd.s32 s2, s6;
	[dreg:$0xf] =	wrdreg s11  }
0x11: {  	s23 =	sadd.s32 s2, s8;
	s24 =	sor.u32 $0x60, s2;
	[dreg:$0x10] =	wrdreg s19  }
0x12: {  	s2 =	sor.u32 $0x40, s2;
	s7 =	sadd.s32 $0x4000, s5;
	[dreg:$0x11] =	wrdreg s20  }
0x13: {  	s25 =	sadd.s32 $0x8000, s5;
	s12 =	sadd.s32 $0xC000, s5;
	[dreg:$0x4] =	wrdreg s22  }
0x14: {  	s13 =	sadd.s32 $0x10000, s5;
	s18 =	sadd.s32 $0x66E00, s1;
	[dreg:$0x5] =	wrdreg s23  }
0x15: {  	s19 =	smax.u32 s9, $0x1;
	s20 =	sadd.s32 s2, s6;
	[dreg:$0x8] =	wrdreg s7  }
0x16: {  	s22 =	simm.s32 $0x400;
	s23 =	simm.s32 $0x7;
	[dreg:$0x9] =	wrdreg s25  }
0x17: {  	s1 =	simm.s32 $0x3;
	s9 =	simm.s32 $0x2;
	[dreg:$0xa] =	wrdreg s12  }
0x18: {  	s11 =	simm.s32 $0x0;
	[dreg:$0xb] =	wrdreg s13;
	s12 =	sadd.s32 s8, s26  }
0x19: {  	s7 =	sor.u32 $0x30, s26;
	s25 =	sadd.s32 s24, s6;
	[dreg:$0xd] =	wrdreg s12  }
0x1a: {  	s26 =	sadd.s32 s24, s8;
	s24 =	simm.s32 $0x200;
	[dreg:$0x6] =	wrdreg s25  }
0x1b: {  	s21 =	sadd.s32 s6, s7;
	s7 =	sadd.s32 s8, s7;
	[dreg:$0x7] =	wrdreg s26  }
0x1c: {  	s25 =	simm.s32 $0x80;
	s26 =	simm.s32 $0x280;
	[dreg:$0x12] =	wrdreg s21  }
0x1d: {  	s6 =	simm.s32 $0x4400;
	[dreg:$0x13] =	wrdreg s7;
	s21 =	sadd.s32 s2, s8  }
0x1e: {  	v0 =	vimm.f32 $0.0e+00;
	s2 =	simm.s32 $0x4;
	s7 =	simm.s32 $0x1;
	s8 =	simm.s32 $0x5  }
.LBB2_1:
0x1f: {  	s12 =	sand.u32 $0xFE00, s4  }
0x20: {  	s13 =	sand.u32 $0x70, s4;
	s14 =	sshrl.u32 s12, $0x2  }
0x21: {  	s12 =	simm.s32 $0x40;
	s14 =	sor.u32 s13, s14;
	s13 =	simm.s32 $0x0  }
.LBB2_2:
0x22: {  	p0 =	sne.s32 s12, $0xFFC0  }
0x23: {  	[tilespmem:s14+$0x400] =	vst v0;
	s13 =	sadd.s32 $0x10, s13;
	s14 =	smov.u32 s12;
	s12 =	sadd.s32 $0x40, s12  }
.Ltmp0:
0x24: {  	(pc) =	sbr.rel @p0 .LBB2_2-.Ltmp0, $4  }
0x25: {  	_ = 	snop  }
0x26: {  	s14 =	sand.u32 $0xFE00, s14  }
0x27: {  	s15 =	sand.u32 $0x70, s13;
	s14 =	sshrl.u32 s14, $0x2  }
0x28: {  	s14 =	sor.u32 s15, s14  }
0x29: {  	[tilespmem:s14+$0x400] =	vst v0  }
0x2a: {  	[spmem:s5] =	stream.linear.scatter [tilespmem:s22], [sflag:$0x7], $0x4000, $0x38;
	[tilespmem:$0x1C400] =	vst v63  }
0x2b: {  	_ =	swait.ge [sflag:s23], $0x4000  }
0x2c: {  	[sflag:s23] =	ssyncset.done $0x0  }
0x2d: {  	s12 =	rddreg [dreg:$0x8];
	[sflag:s23] =	ssyncadd.s32 $0xFFFFC000  }
0x2e: {  	[spmem:s12] =	stream.linear.scatter [tilespmem:s22], [sflag:$0x7], $0x4000, $0x38;
	[tilespmem:$0x1C400] =	vst v63  }
0x2f: {  	_ =	swait.ge [sflag:s23], $0x4000  }
0x30: {  	[sflag:s23] =	ssyncset.done $0x0  }
0x31: {  	s14 =	rddreg [dreg:$0x9];
	[sflag:s23] =	ssyncadd.s32 $0xFFFFC000  }
0x32: {  	[spmem:s14] =	stream.linear.scatter [tilespmem:s22], [sflag:$0x7], $0x4000, $0x38;
	[tilespmem:$0x1C400] =	vst v63  }
0x33: {  	_ =	swait.ge [sflag:s23], $0x4000  }
0x34: {  	[sflag:s23] =	ssyncset.done $0x0  }
0x35: {  	s15 =	rddreg [dreg:$0xa];
	[sflag:s23] =	ssyncadd.s32 $0xFFFFC000  }
0x36: {  	[spmem:s15] =	stream.linear.scatter [tilespmem:s22], [sflag:$0x7], $0x4000, $0x38;
	[tilespmem:$0x1C400] =	vst v63  }
0x37: {  	_ =	swait.ge [sflag:s23], $0x4000  }
0x38: {  	[sflag:s23] =	ssyncset.done $0x0  }
0x39: {  	s16 =	rddreg [dreg:$0xb];
	[sflag:s23] =	ssyncadd.s32 $0xFFFFC000  }
0x3a: {  	[spmem:s16] =	stream.linear.scatter [tilespmem:s22], [sflag:$0x7], $0x4000, $0x38;
	[tilespmem:$0x1C400] =	vst v63  }
0x3b: {  	_ =	swait.ge [sflag:s23], $0x4000  }
0x3c: {  	[sflag:s23] =	ssyncset.done $0x0  }
0x3d: {  	[sflag:s23] =	ssyncadd.s32 $0xFFFFC000  }
0x3e: {  	[bflag:$0x0] =	sbarrier.arrive $0xFFFF  }
0x3f: {  	s12 =	simm.s32 $0x0;
	s13 =	rddreg [dreg:$0xc]  }
0x40: {  	[tilespmem:s12], [sflag:$0x3] =	stream.linear.gather [hbm4b:s13+s12], $0x80, $0x38;
	[tilespmem:$0x1C400] =	vst v63  }
0x41: {  	s17 =	rddreg [dreg:$0xd]  }
0x42: {  	[tilespmem:s24], [sflag:$0x3] =	stream.linear.gather [hbm4b:s17+s12], $0x80, $0x38;
	[tilespmem:$0x1C400] =	vst v63  }
0x43: {  	s14 =	rddreg [dreg:$0xe]  }
0x44: {  	[tilespmem:s25], [sflag:$0x4] =	stream.linear.gather [hbm4b:s14+s12], $0x80, $0x38;
	[tilespmem:$0x1C400] =	vst v63  }
0x45: {  	s15 =	rddreg [dreg:$0xf]  }
0x46: {  	[tilespmem:s26], [sflag:$0x4] =	stream.linear.gather [hbm4b:s15+s12], $0x80, $0x38;
	[tilespmem:$0x1C400] =	vst v63  }
0x47: {  	s16 =	rddreg [dreg:$0x10]  }
0x48: {  	[tilespmem:s28], [sflag:$0x5] =	stream.linear.gather [hbm4b:s16+s12], $0x80, $0x38;
	[tilespmem:$0x1C400] =	vst v63  }
0x49: {  	s17 =	rddreg [dreg:$0x11]  }
0x4a: {  	[tilespmem:s29], [sflag:$0x5] =	stream.linear.gather [hbm4b:s17+s12], $0x80, $0x38;
	[tilespmem:$0x1C400] =	vst v63  }
0x4b: {  	s14 =	rddreg [dreg:$0x12]  }
0x4c: {  	[tilespmem:s30], [sflag:$0x6] =	stream.linear.gather [hbm4b:s14+s12], $0x80, $0x38;
	[tilespmem:$0x1C400] =	vst v63  }
0x4d: {  	s15 =	rddreg [dreg:$0x13]  }
0x4e: {  	[tilespmem:s31], [sflag:$0x6] =	stream.linear.gather [hbm4b:s15+s12], $0x80, $0x38;
	[tilespmem:$0x1C400] =	vst v63  }
0x4f: {  	_ =	swait.ge [sflag:s1], $0x80  }
0x50: {  	[sflag:s1] =	ssyncset.done $0x0  }
0x51: {  	[sflag:s1] =	ssyncadd.s32 $0xFFFFFF80  }
0x52: {  	_ =	swait.ge [sflag:s1], $0x80  }
0x53: {  	[sflag:s1] =	ssyncset.done $0x0  }
0x54: {  	[sflag:s1] =	ssyncadd.s32 $0xFFFFFF80  }
0x55: {  	[tilespmem:s22], [sflag:$0x1] =	stream.indirect.gather [hbm4b:s0+s25], $0x80, s12, s25, $0xb8;
	[tilespmem:$0x1C400] =	vst v63  }
0x56: {  	_ =	swait.ge [sflag:s2], $0x80  }
0x57: {  	[sflag:s2] =	ssyncset.done $0x0  }
0x58: {  	[sflag:s2] =	ssyncadd.s32 $0xFFFFFF80  }
0x59: {  	_ =	swait.ge [sflag:s2], $0x80  }
0x5a: {  	[sflag:s2] =	ssyncset.done $0x0  }
0x5b: {  	[sflag:s2] =	ssyncadd.s32 $0xFFFFFF80  }
0x5c: {  	[tilespmem:s6], [sflag:$0x2] =	stream.indirect.gather [hbm4b:s0+s25], $0x80, s25, s25, $0xb8;
	[tilespmem:$0x1C400] =	vst v63  }
0x5d: {  	_ =	swait.ge [sflag:s7], $0x4000  }
0x5e: {  	[sflag:s7] =	ssyncset.done $0x0  }
0x5f: {  	[sflag:s7] =	ssyncadd.s32 $0xFFFFC000  }
0x60: {  	[spmem:s3] =	stream.indirect.scatter.add.f32 [tilespmem:s22], [sflag:$0x7], $0x80, s24, s25, $0xb8;
	[tilespmem:$0x1C400] =	vst v63  }
0x61: {  	_ =	swait.ge [sflag:s23], $0x4000  }
0x62: {  	[sflag:s23] =	ssyncset.done $0x0  }
0x63: {  	s16 =	sadd.s32 $0x0, s20;
	[sflag:s23] =	ssyncadd.s32 $0xFFFFC000  }
0x64: {  	[tilespmem:s4], [sflag:$0x3] =	stream.linear.gather [hbm4b:s16+s4], $0x80, $0x38;
	[tilespmem:$0x1C400] =	vst v63  }
0x65: {  	s17 =	sadd.s32 $0x0, s21  }
0x66: {  	[tilespmem:s24], [sflag:$0x3] =	stream.linear.gather [hbm4b:s17+s4], $0x80, $0x38;
	[tilespmem:$0x1C400] =	vst v63  }
0x67: {  	_ =	swait.ge [sflag:s8], $0x80  }
0x68: {  	[sflag:s8] =	ssyncset.done $0x0  }
0x69: {  	[sflag:s8] =	ssyncadd.s32 $0xFFFFFF80  }
0x6a: {  	_ =	swait.ge [sflag:s8], $0x80  }
0x6b: {  	[sflag:s8] =	ssyncset.done $0x0  }
0x6c: {  	[sflag:s8] =	ssyncadd.s32 $0xFFFFFF80  }
0x6d: {  	[tilespmem:s22], [sflag:$0x1] =	stream.indirect.gather [hbm4b:s0+s25], $0x80, s28, s25, $0xb8;
	[tilespmem:$0x1C400] =	vst v63  }
0x6e: {  	_ =	swait.ge [sflag:s9], $0x4000  }
0x6f: {  	[sflag:s9] =	ssyncset.done $0x0  }
0x70: {  	[sflag:s9] =	ssyncadd.s32 $0xFFFFC000  }
0x71: {  	[spmem:s3] =	stream.indirect.scatter.add.f32 [tilespmem:s6], [sflag:$0x7], $0x80, s26, s25, $0xb8;
	[tilespmem:$0x1C400] =	vst v63  }
0x72: {  	_ =	swait.ge [sflag:s23], $0x4000  }
0x73: {  	s13 =	rddreg [dreg:$0x4]  }
0x74: {  	s14 =	rddreg [dreg:$0x5];
	[sflag:s23] =	ssyncset.done $0x0;
	s12 =	sadd.s32 $0x0, s13  }
0x75: {  	[sflag:s23] =	ssyncadd.s32 $0xFFFFC000;
	s13 =	sadd.s32 $0x0, s14;
	s15 =	sadd.s32 $0x50, s12  }
0x76: {  	[tilespmem:s25], [sflag:$0x4] =	stream.linear.gather [hbm4b:s15+s4], $0x80, $0x38;
	[tilespmem:$0x1C400] =	vst v63  }
0x77: {  	s16 =	sadd.s32 $0x50, s13  }
0x78: {  	[tilespmem:s26], [sflag:$0x4] =	stream.linear.gather [hbm4b:s16+s4], $0x80, $0x38;
	[tilespmem:$0x1C400] =	vst v63  }
0x79: {  	_ =	swait.ge [sflag:s10], $0x80  }
0x7a: {  	[sflag:s10] =	ssyncset.done $0x0  }
0x7b: {  	[sflag:s10] =	ssyncadd.s32 $0xFFFFFF80  }
0x7c: {  	_ =	swait.ge [sflag:s10], $0x80  }
0x7d: {  	[sflag:s10] =	ssyncset.done $0x0  }
0x7e: {  	[sflag:s10] =	ssyncadd.s32 $0xFFFFFF80  }
0x7f: {  	[tilespmem:s6], [sflag:$0x2] =	stream.indirect.gather [hbm4b:s0+s25], $0x80, s30, s25, $0xb8;
	[tilespmem:$0x1C400] =	vst v63  }
0x80: {  	_ =	swait.ge [sflag:s7], $0x4000  }
0x81: {  	[sflag:s7] =	ssyncset.done $0x0  }
0x82: {  	[sflag:s7] =	ssyncadd.s32 $0xFFFFC000  }
0x83: {  	[spmem:s3] =	stream.indirect.scatter.add.f32 [tilespmem:s22], [sflag:$0x7], $0x80, s29, s25, $0xb8;
	[tilespmem:$0x1C400] =	vst v63  }
0x84: {  	_ =	swait.ge [sflag:s23], $0x4000  }
0x85: {  	s17 =	rddreg [dreg:$0x6];
	[sflag:s23] =	ssyncset.done $0x0  }
0x86: {  	s15 =	rddreg [dreg:$0x7];
	[sflag:s23] =	ssyncadd.s32 $0xFFFFC000;
	s14 =	sadd.s32 $0x0, s17  }
0x87: {  	[tilespmem:s28], [sflag:$0x5] =	stream.linear.gather [hbm4b:s14+s4], $0x80, $0x38;
	[tilespmem:$0x1C400] =	vst v63  }
0x88: {  	s16 =	sadd.s32 $0x0, s15  }
0x89: {  	[tilespmem:s29], [sflag:$0x5] =	stream.linear.gather [hbm4b:s16+s4], $0x80, $0x38;
	[tilespmem:$0x1C400] =	vst v63  }
0x8a: {  	_ =	swait.ge [sflag:s9], $0x4000  }
0x8b: {  	[sflag:s9] =	ssyncset.done $0x0  }
0x8c: {  	[sflag:s9] =	ssyncadd.s32 $0xFFFFC000  }
0x8d: {  	[spmem:s3] =	stream.indirect.scatter.add.f32 [tilespmem:s6], [sflag:$0x7], $0x80, s31, s25, $0xb8;
	[tilespmem:$0x1C400] =	vst v63  }
0x8e: {  	_ =	swait.ge [sflag:s23], $0x4000  }
0x8f: {  	[sflag:s23] =	ssyncset.done $0x0  }
0x90: {  	s12 =	sadd.s32 $0x70, s12;
	[sflag:s23] =	ssyncadd.s32 $0xFFFFC000  }
0x91: {  	[tilespmem:s30], [sflag:$0x6] =	stream.linear.gather [hbm4b:s12+s4], $0x80, $0x38;
	[tilespmem:$0x1C400] =	vst v63  }
0x92: {  	s17 =	sadd.s32 $0x70, s13  }
0x93: {  	[tilespmem:s31], [sflag:$0x6] =	stream.linear.gather [hbm4b:s17+s4], $0x80, $0x38;
	[tilespmem:$0x1C400] =	vst v63  }
0x94: {  	_ =	swait.ge [sflag:s1], $0x80  }
0x95: {  	[sflag:s1] =	ssyncset.done $0x0  }
0x96: {  	[sflag:s1] =	ssyncadd.s32 $0xFFFFFF80  }
0x97: {  	_ =	swait.ge [sflag:s1], $0x80  }
0x98: {  	s12 =	simm.s32 $0x40;
	[sflag:s1] =	ssyncset.done $0x0  }
.LBB2_4:
0x99: {  	[sflag:s1] =	ssyncadd.s32 $0xFFFFFF80  }
0x9a: {  	[tilespmem:s22], [sflag:$0x1] =	stream.indirect.gather [hbm4b:s0+s25], $0x80, s4, s25, $0xb8;
	[tilespmem:$0x1C400] =	vst v63  }
0x9b: {  	_ =	swait.ge [sflag:s2], $0x80  }
0x9c: {  	[sflag:s2] =	ssyncset.done $0x0  }
0x9d: {  	[sflag:s2] =	ssyncadd.s32 $0xFFFFFF80  }
0x9e: {  	_ =	swait.ge [sflag:s2], $0x80  }
0x9f: {  	[sflag:s2] =	ssyncset.done $0x0  }
0xa0: {  	[sflag:s2] =	ssyncadd.s32 $0xFFFFFF80  }
0xa1: {  	[tilespmem:s6], [sflag:$0x2] =	stream.indirect.gather [hbm4b:s0+s25], $0x80, s25, s25, $0xb8;
	[tilespmem:$0x1C400] =	vst v63  }
0xa2: {  	_ =	swait.ge [sflag:s7], $0x4000  }
0xa3: {  	[sflag:s7] =	ssyncset.done $0x0  }
0xa4: {  	[sflag:s7] =	ssyncadd.s32 $0xFFFFC000  }
0xa5: {  	[spmem:s3] =	stream.indirect.scatter.add.f32 [tilespmem:s22], [sflag:$0x7], $0x80, s24, s25, $0xb8;
	[tilespmem:$0x1C400] =	vst v63  }
0xa6: {  	_ =	swait.ge [sflag:s23], $0x4000  }
0xa7: {  	s13 =	smov.u32 s12;
	[sflag:s23] =	ssyncset.done $0x0  }
0xa8: {  	s14 =	sadd.s32 s13, s20;
	[sflag:s23] =	ssyncadd.s32 $0xFFFFC000  }
0xa9: {  	[tilespmem:s4], [sflag:$0x3] =	stream.linear.gather [hbm4b:s14+s4], $0x80, $0x38;
	[tilespmem:$0x1C400] =	vst v63  }
0xaa: {  	s15 =	sadd.s32 s13, s21  }
0xab: {  	[tilespmem:s24], [sflag:$0x3] =	stream.linear.gather [hbm4b:s15+s4], $0x80, $0x38;
	[tilespmem:$0x1C400] =	vst v63  }
0xac: {  	_ =	swait.ge [sflag:s8], $0x80  }
0xad: {  	[sflag:s8] =	ssyncset.done $0x0  }
0xae: {  	[sflag:s8] =	ssyncadd.s32 $0xFFFFFF80  }
0xaf: {  	_ =	swait.ge [sflag:s8], $0x80  }
0xb0: {  	[sflag:s8] =	ssyncset.done $0x0  }
0xb1: {  	[sflag:s8] =	ssyncadd.s32 $0xFFFFFF80  }
0xb2: {  	[tilespmem:s22], [sflag:$0x1] =	stream.indirect.gather [hbm4b:s0+s25], $0x80, s28, s25, $0xb8;
	[tilespmem:$0x1C400] =	vst v63  }
0xb3: {  	_ =	swait.ge [sflag:s9], $0x4000  }
0xb4: {  	[sflag:s9] =	ssyncset.done $0x0  }
0xb5: {  	[sflag:s9] =	ssyncadd.s32 $0xFFFFC000  }
0xb6: {  	[spmem:s3] =	stream.indirect.scatter.add.f32 [tilespmem:s6], [sflag:$0x7], $0x80, s26, s25, $0xb8;
	[tilespmem:$0x1C400] =	vst v63  }
0xb7: {  	_ =	swait.ge [sflag:s23], $0x4000  }
0xb8: {  	s16 =	rddreg [dreg:$0x4]  }
0xb9: {  	s15 =	rddreg [dreg:$0x5];
	[sflag:s23] =	ssyncset.done $0x0;
	s14 =	sadd.s32 s13, s16  }
0xba: {  	[sflag:s23] =	ssyncadd.s32 $0xFFFFC000;
	s15 =	sadd.s32 s13, s15;
	s16 =	sadd.s32 $0x50, s14  }
0xbb: {  	[tilespmem:s25], [sflag:$0x4] =	stream.linear.gather [hbm4b:s16+s4], $0x80, $0x38;
	[tilespmem:$0x1C400] =	vst v63  }
0xbc: {  	s17 =	sadd.s32 $0x50, s15  }
0xbd: {  	[tilespmem:s26], [sflag:$0x4] =	stream.linear.gather [hbm4b:s17+s4], $0x80, $0x38;
	[tilespmem:$0x1C400] =	vst v63  }
0xbe: {  	_ =	swait.ge [sflag:s10], $0x80  }
0xbf: {  	[sflag:s10] =	ssyncset.done $0x0  }
0xc0: {  	[sflag:s10] =	ssyncadd.s32 $0xFFFFFF80  }
0xc1: {  	_ =	swait.ge [sflag:s10], $0x80  }
0xc2: {  	[sflag:s10] =	ssyncset.done $0x0  }
0xc3: {  	[sflag:s10] =	ssyncadd.s32 $0xFFFFFF80  }
0xc4: {  	[tilespmem:s6], [sflag:$0x2] =	stream.indirect.gather [hbm4b:s0+s25], $0x80, s30, s25, $0xb8;
	[tilespmem:$0x1C400] =	vst v63  }
0xc5: {  	_ =	swait.ge [sflag:s7], $0x4000  }
0xc6: {  	[sflag:s7] =	ssyncset.done $0x0  }
0xc7: {  	[sflag:s7] =	ssyncadd.s32 $0xFFFFC000  }
0xc8: {  	[spmem:s3] =	stream.indirect.scatter.add.f32 [tilespmem:s22], [sflag:$0x7], $0x80, s29, s25, $0xb8;
	[tilespmem:$0x1C400] =	vst v63  }
0xc9: {  	_ =	swait.ge [sflag:s23], $0x4000  }
0xca: {  	s16 =	rddreg [dreg:$0x6];
	[sflag:s23] =	ssyncset.done $0x0  }
0xcb: {  	s17 =	rddreg [dreg:$0x7];
	[sflag:s23] =	ssyncadd.s32 $0xFFFFC000;
	s16 =	sadd.s32 s13, s16  }
0xcc: {  	[tilespmem:s28], [sflag:$0x5] =	stream.linear.gather [hbm4b:s16+s4], $0x80, $0x38;
	[tilespmem:$0x1C400] =	vst v63  }
0xcd: {  	s13 =	sadd.s32 s13, s17  }
0xce: {  	[tilespmem:s29], [sflag:$0x5] =	stream.linear.gather [hbm4b:s13+s4], $0x80, $0x38;
	[tilespmem:$0x1C400] =	vst v63  }
0xcf: {  	_ =	swait.ge [sflag:s9], $0x4000  }
0xd0: {  	[sflag:s9] =	ssyncset.done $0x0  }
0xd1: {  	[sflag:s9] =	ssyncadd.s32 $0xFFFFC000  }
0xd2: {  	[spmem:s3] =	stream.indirect.scatter.add.f32 [tilespmem:s6], [sflag:$0x7], $0x80, s31, s25, $0xb8;
	[tilespmem:$0x1C400] =	vst v63  }
0xd3: {  	_ =	swait.ge [sflag:s23], $0x4000  }
0xd4: {  	[sflag:s23] =	ssyncset.done $0x0  }
0xd5: {  	s16 =	sadd.s32 $0x70, s14;
	[sflag:s23] =	ssyncadd.s32 $0xFFFFC000  }
0xd6: {  	[tilespmem:s30], [sflag:$0x6] =	stream.linear.gather [hbm4b:s16+s4], $0x80, $0x38;
	[tilespmem:$0x1C400] =	vst v63  }
0xd7: {  	p0 =	sne.s32 s12, $0x4C0;
	s17 =	sadd.s32 $0x70, s15  }
0xd8: {  	[tilespmem:s31], [sflag:$0x6] =	stream.linear.gather [hbm4b:s17+s4], $0x80, $0x38;
	[tilespmem:$0x1C400] =	vst v63  }
.Ltmp1:
0xd9: {  	_ =	swait.ge [sflag:s1], $0x80;
	(pc) =	sbr.rel @p0 .LBB2_4-.Ltmp1, $4  }
0xda: {  	[sflag:s1] =	ssyncset.done $0x0  }
0xdb: {  	[sflag:s1] =	ssyncadd.s32 $0xFFFFFF80  }
0xdc: {  	_ =	swait.ge [sflag:s1], $0x80  }
0xdd: {  	s12 =	sadd.s32 $0x40, s12;
	[sflag:s1] =	ssyncset.done $0x0  }
0xde: {  	[sflag:s1] =	ssyncadd.s32 $0xFFFFFF80  }
0xdf: {  	[tilespmem:s22], [sflag:$0x1] =	stream.indirect.gather [hbm4b:s0+s25], $0x80, s4, s25, $0xb8;
	[tilespmem:$0x1C400] =	vst v63  }
0xe0: {  	_ =	swait.ge [sflag:s7], $0x4000  }
0xe1: {  	[sflag:s7] =	ssyncset.done $0x0  }
0xe2: {  	[sflag:s7] =	ssyncadd.s32 $0xFFFFC000  }
0xe3: {  	_ =	swait.ge [sflag:s2], $0x80  }
0xe4: {  	[sflag:s2] =	ssyncset.done $0x0  }
0xe5: {  	[sflag:s2] =	ssyncadd.s32 $0xFFFFFF80  }
0xe6: {  	_ =	swait.ge [sflag:s2], $0x80  }
0xe7: {  	[sflag:s2] =	ssyncset.done $0x0  }
0xe8: {  	[sflag:s2] =	ssyncadd.s32 $0xFFFFFF80  }
0xe9: {  	_ =	swait.ge [sflag:s8], $0x80  }
0xea: {  	[sflag:s8] =	ssyncset.done $0x0  }
0xeb: {  	[sflag:s8] =	ssyncadd.s32 $0xFFFFFF80  }
0xec: {  	_ =	swait.ge [sflag:s8], $0x80  }
0xed: {  	[sflag:s8] =	ssyncset.done $0x0  }
0xee: {  	[sflag:s8] =	ssyncadd.s32 $0xFFFFFF80  }
0xef: {  	_ =	swait.ge [sflag:s10], $0x80  }
0xf0: {  	[sflag:s10] =	ssyncset.done $0x0  }
0xf1: {  	[sflag:s10] =	ssyncadd.s32 $0xFFFFFF80  }
0xf2: {  	s12 =	stileid.u32;
	_ =	swait.ge [sflag:s10], $0x80  }
0xf3: {  	s13 =	sshrl.u32 s5, $0x3;
	s11 =	sadd.s32 $0x1, s11;
	[sflag:s10] =	ssyncset.done $0x0  }
0xf4: {  	s12 =	sshll.u32 s12, $0x6;
	p0 =	sne.s32 s11, s19;
	[sflag:s10] =	ssyncadd.s32 $0xFFFFFF80  }
.Ltmp2:
0xf5: {  	s12 =	sor.u32 $0x1C07, s12;
	[bflag:$0x0] =	sbarrier.arrive $0xFFFF;
	(pc) =	sbr.rel @p0 .LBB2_1-.Ltmp2, $4  }
0xf6: {  	[hbm:s18], [sflag:s12] =	dma.local [spmem:s13], $0x2800  }
0xf7: {  	_ =	swait.ge [sflag:s23], $0x2800  }
0xf8: {  	[sflag:s23] =	ssyncset.done $0x0  }
0xf9: {  	[sflag:s23] =	ssyncadd.s32 $0xFFFFD800  }
0xfa: {  	_ =	sfence.sel $0x180000  }
0xfb: {  	[bflag:$0x0] =	sbarrier.arrive $0xFFFF  }
0xfc: {  	_ =	strace $0x9000004A  }
0xfd: {  	s0 =	stileid.u32;
	[bflag:$0x2] =	sbarrier.arrive $0xFFFF  }
0xfe: {  	p0 =	sne.s32 s0, $0x0;
	s0 =	rddreg [dreg:$0x3]  }
0xff: {  	s0 =	sadd.s32 @!p0 $0x100000, s0  }
0x100: {  	[sflag:s0] =	ssyncadd.tile.s32 @!p0 $0x1;
	_ =	shalt  }
.Lfunc_end2:
_tile_overlayer_lowered:
.L_overlay_start_2:
0x101: {  	(tag) =	ssettag $0x2  }
0x102: {  	s0 =	rddreg [dreg:$0x0];
	s2 =	stileid.u32  }
0x103: {  	s1 =	rddreg [dreg:$0x1];
	p0 =	sne.s32 s2, $0x0  }
0x104: {  	s3 =	rddreg [dreg:$0x2];
	[bflag:$0x3] =	sbarrier.arrive $0xFFFF;
	s2 =	simm.s32 @!p0 $0x1C07  }
0x105: {  	[timem:s3], [sflag:s2] =	dma.local @!p0 [hbm:s0], s1  }
0x106: {  	s0 =	simm.s32 @!p0 $0x7  }
0x107: {  	_ =	swait.ge @!p0 [sflag:s0], s1  }
0x108: {  	s1 =	ssub.s32 @!p0 $0x0, s1;
	[sflag:s0] =	ssyncset.done @!p0 $0x0  }
0x109: {  	[sflag:s0] =	ssyncadd.s32 @!p0 s1  }
0x10a: {  	[bflag:$0x3] =	sbarrier.arrive $0xFFFF  }
0x10b: {  	_ =	shalt  }

</sc_bundles>
